<compile_context>
chip_gen: v7x
topology: tpu7x:2x2x1
jax: 0.10.2.dev20260603
libtpu: 0.0.44.dev20260713+nightly
codegen_flags: <defaults>
</compile_context>

<pallas_src>
import jax
import jax.numpy as jnp
from jax import lax
from jax.experimental import pallas as pl
from jax.experimental.pallas import tpu as pltpu
from jax.experimental.pallas import tpu_sc as plsc

B, T = 4096, 200
VOCAB, DIM = 127, 64
N = B * T

_info = plsc.get_sparse_core_info()
NC, NS, L = _info.num_cores, _info.num_subcores, _info.num_lanes
NW = NC * NS

CHUNK = 128
GPB = 2
SUPER = CHUNK * GPB
NBUF = 4
PER_W = N // NW
NSUPER = PER_W // SUPER


def _emb_kernel(notes_hbm, table_hbm, out_hbm, table_v, notes_all, idx_all, rows, g0, g1, g2, g3, osem):
    gsems = (g0, g1, g2, g3)
    wid = lax.axis_index("s") * NC + lax.axis_index("c")
    w_base = wid * PER_W

    @pl.when(lax.axis_index("s") == 0)
    def _stage_table():
        pltpu.sync_copy(table_hbm, table_v)

    pltpu.sync_copy(notes_hbm.at[pl.ds(w_base, PER_W)], notes_all)
    plsc.subcore_barrier()

    def conv(c, carry):
        for i in range(CHUNK // L):
            sl = pl.ds(c * CHUNK + i * L, L)
            idx_all[sl] = (notes_all[sl] * 127.0).astype(jnp.int32)
        return carry

    lax.fori_loop(0, PER_W // CHUNK, conv, 0)

    def fire(g, p):
        for j in range(GPB):
            idx_sl = idx_all.at[pl.ds(g * SUPER + j * CHUNK, CHUNK)]
            pltpu.async_copy(
                table_v.at[idx_sl],
                rows.at[pl.ds(p * SUPER + j * CHUNK, CHUNK)],
                gsems[p],
            )

    def gwait(p):
        for j in range(GPB):
            pltpu.make_async_copy(
                table_v.at[idx_all.at[pl.ds(0, CHUNK)]],
                rows.at[pl.ds(p * SUPER + j * CHUNK, CHUNK)],
                gsems[p],
            ).wait()

    fire(0, 0)
    fire(1, 1)

    def body(gg, carry):
        for p in range(NBUF):
            g = gg * NBUF + p
            gwait(p)
            pltpu.async_copy(
                rows.at[pl.ds(p * SUPER, SUPER)],
                out_hbm.at[pl.ds(w_base + g * SUPER, SUPER)],
                osem,
            )

            @pl.when(g >= 2)
            def _drain():
                pltpu.make_async_copy(
                    rows.at[pl.ds(p * SUPER, SUPER)],
                    out_hbm.at[pl.ds(w_base, SUPER)],
                    osem,
                ).wait()

            @pl.when(g + 2 < NSUPER)
            def _prefetch():
                fire(g + 2, (p + 2) % NBUF)
        return carry

    lax.fori_loop(0, NSUPER // NBUF, body, 0)

    for k in range(2):
        pltpu.make_async_copy(
            rows.at[pl.ds(0, SUPER)],
            out_hbm.at[pl.ds(w_base, SUPER)],
            osem,
        ).wait()


@jax.jit
def _emb_lookup(notes_flat, emb_table):
    mesh = plsc.VectorSubcoreMesh(core_axis_name="c", subcore_axis_name="s")
    return pl.kernel(
        _emb_kernel,
        out_type=jax.ShapeDtypeStruct((N, DIM), jnp.float32),
        mesh=mesh,
        scratch_types=[
            pltpu.VMEM_SHARED((VOCAB, DIM), jnp.float32),
            pltpu.VMEM((PER_W,), jnp.float32),
            pltpu.VMEM((PER_W,), jnp.int32),
            pltpu.VMEM((NBUF * SUPER, DIM), jnp.float32),
            pltpu.SemaphoreType.DMA,
            pltpu.SemaphoreType.DMA,
            pltpu.SemaphoreType.DMA,
            pltpu.SemaphoreType.DMA,
            pltpu.SemaphoreType.DMA,
        ],
        compiler_params=pltpu.CompilerParams(use_tc_tiling_on_sc=False),
    )(notes_flat, emb_table)


TD = T * DIM


def _tr_kernel(x_ref, o_ref):
    x = x_ref[...].reshape(256, TD)
    o_ref[...] = x.T


@jax.jit
def _to_device_layout(y128):
    return pl.pallas_call(
        _tr_kernel,
        grid=(B // 256,),
        in_specs=[pl.BlockSpec((2 * TD, 128), lambda i: (i, 0))],
        out_specs=pl.BlockSpec((TD, 256), lambda i: (0, i)),
        out_shape=jax.ShapeDtypeStruct((TD, B), jnp.float32),
    )(y128)


def kernel(notes, onsets, durations, x_lengths, emb_table):
    out = _emb_lookup(notes.reshape(N), emb_table)
    outT = _to_device_layout(out.reshape(N * DIM // 128, 128))
    return jnp.transpose(outT.reshape(T, DIM, B), (2, 0, 1))

# --- scband reference (transcript-rebuilt; emitter-appended) ---
"""Pipeline reference for scband-emb-pitch-53429393162346 (READ-ONLY COPY).

The authoritative reference and input builder live on the scoring server;
editing this copy changes nothing except your own understanding.
"""

import jax, jax.numpy as jnp
import numpy as np

B, T = 4096, 200
VOCAB, DIM = 127, 64

def setup_inputs(seed: int = 0) -> dict:
    key = jax.random.key(seed)
    k1, k2, k3, k4, k5 = jax.random.split(key, 5)
    notes = jax.random.uniform(k1, (B, T, 1), dtype=jnp.float32)
    onsets = jax.random.uniform(k2, (B, T, 1), dtype=jnp.float32)
    durations = jax.random.uniform(k3, (B, T, 1), dtype=jnp.float32)
    x_lengths = jax.random.randint(k4, (B,), 0, T, dtype=jnp.int32)
    emb_table = jax.random.normal(k5, (VOCAB, DIM), dtype=jnp.float32)
    return {"notes": notes, "onsets": onsets, "durations": durations, "x_lengths": x_lengths, "emb_table": emb_table}

def reference(notes, onsets, durations, x_lengths, emb_table):
    # torch: self.emb((notes * 127).int()) then squeeze dim=2
    # .int() truncates toward zero; notes in [0,1) -> idx in [0,126]
    idx = (notes * 127).astype(jnp.int32)            # [B, T, 1]
    emb = jnp.take(emb_table, idx, axis=0)           # [B, T, 1, 64]
    out = jnp.squeeze(emb, axis=2)                   # [B, T, 64]
    # onsets, durations, x_lengths are accepted but unused, matching the torch forward
    return out

if __name__ == "__main__":
    import jax
    _d = setup_inputs()
    print(jax.jit(kernel)(*tuple(_d.values())))

</pallas_src>

<mosaic_0001>
#map = affine_map<(d0, d1) -> (0)>
#map1 = affine_map<(d0, d1) -> (0, 0)>
module attributes {stable_mosaic.version = 14 : i64} {
  func.func @_emb_kernel(%arg0: i32, %arg1: i32, %arg2: memref<819200xf32, #tpu.memory_space<hbm>>, %arg3: memref<127x64xf32, #tpu.memory_space<hbm>>, %arg4: memref<819200x64xf32, #tpu.memory_space<hbm>>, %arg5: memref<127x64xf32, #tpu.memory_space<vmem_shared>>, %arg6: memref<25600xf32, #tpu.memory_space<vmem>>, %arg7: memref<25600xi32, #tpu.memory_space<vmem>>, %arg8: memref<1024x64xf32, #tpu.memory_space<vmem>>, %arg9: memref<!tpu.dma_semaphore, #tpu.memory_space<semaphore_mem>>, %arg10: memref<!tpu.dma_semaphore, #tpu.memory_space<semaphore_mem>>, %arg11: memref<!tpu.dma_semaphore, #tpu.memory_space<semaphore_mem>>, %arg12: memref<!tpu.dma_semaphore, #tpu.memory_space<semaphore_mem>>, %arg13: memref<!tpu.dma_semaphore, #tpu.memory_space<semaphore_mem>>) attributes {dimension_semantics = [#tpu.dimension_semantics<core_parallel>, #tpu.dimension_semantics<subcore_parallel>], iteration_bounds = array<i64: 2, 16>, scalar_prefetch = 0 : i64, scratch_operands = 9 : i64, tpu.core_type = #tpu.core_type<sc_vector_subcore>, window_params = [{transform_indices = #map}, {transform_indices = #map1}, {transform_indices = #map1}]} {
    %mul3A = arith.constant 2 : i32
    %mul3A_0 = arith.muli %arg1, %mul3A : i32
    %add3A = arith.addi %mul3A_0, %arg0 : i32
    %mul3A_1 = arith.constant 25600 : i32
    %mul3A_2 = arith.muli %add3A, %mul3A_1 : i32
    %eq3A = arith.constant 0 : i32
    %eq3A_3 = arith.cmpi eq, %arg1, %eq3A : i32
    %convert_element_type3A = arith.extui %eq3A_3 : i1 to i32
    %cond3A = arith.constant 0 : i32
    %cond3A_4 = arith.cmpi ne, %convert_element_type3A, %cond3A : i32
    scf.if %cond3A_4 {
      "tpu.region"() ({
        %run_scoped3A = tpu.sem_alloc : memref<!tpu.dma_semaphore, #tpu.memory_space<semaphore_mem>>
        tpu.enqueue_dma source(%arg3 : memref<127x64xf32, #tpu.memory_space<hbm>>) target(%arg5 : memref<127x64xf32, #tpu.memory_space<vmem_shared>>) target_semaphore(%run_scoped3A : memref<!tpu.dma_semaphore, #tpu.memory_space<semaphore_mem>>)
        tpu.wait_dma2 semaphore(%run_scoped3A : memref<!tpu.dma_semaphore, #tpu.memory_space<semaphore_mem>>) src(%arg3 : memref<127x64xf32, #tpu.memory_space<hbm>>) dst(%arg5 : memref<127x64xf32, #tpu.memory_space<vmem_shared>>)
        tpu.yield
      }) : () -> ()
    } else {
    }
    "tpu.region"() ({
      %run_scoped3A = tpu.sem_alloc : memref<!tpu.dma_semaphore, #tpu.memory_space<semaphore_mem>>
      %dma_start3A_66 = tpu.memref_slice %arg2[%mul3A_2] : memref<819200xf32, #tpu.memory_space<hbm>> -> memref<25600xf32, #tpu.memory_space<hbm>>
      %dma_start3A_67 = tpu.memref_slice %arg2[%mul3A_2] : memref<819200xf32, #tpu.memory_space<hbm>> -> memref<25600xf32, #tpu.memory_space<hbm>>
      tpu.enqueue_dma source(%dma_start3A_67 : memref<25600xf32, #tpu.memory_space<hbm>>) target(%arg6 : memref<25600xf32, #tpu.memory_space<vmem>>) target_semaphore(%run_scoped3A : memref<!tpu.dma_semaphore, #tpu.memory_space<semaphore_mem>>)
      %dma_wait3A_68 = tpu.memref_slice %arg2[%mul3A_2] : memref<819200xf32, #tpu.memory_space<hbm>> -> memref<25600xf32, #tpu.memory_space<hbm>>
      %dma_wait3A_69 = tpu.memref_slice %arg2[%mul3A_2] : memref<819200xf32, #tpu.memory_space<hbm>> -> memref<25600xf32, #tpu.memory_space<hbm>>
      tpu.wait_dma2 semaphore(%run_scoped3A : memref<!tpu.dma_semaphore, #tpu.memory_space<semaphore_mem>>) src(%dma_wait3A_69 : memref<25600xf32, #tpu.memory_space<hbm>>) dst(%arg6 : memref<25600xf32, #tpu.memory_space<vmem>>)
      tpu.yield
    }) : () -> ()
    %barrier3A = arith.constant 0 : index
    tpu.barrier barrier_id(%barrier3A)
    %scan3A = arith.constant 0 : i32
    %scan3A_5 = arith.constant 0 : i32
    %scan3A_6 = arith.constant 200 : i32
    %scan3A_7 = arith.addi %scan3A_5, %scan3A_6 : i32
    %scan3A_8 = arith.constant 1 : i32
    scf.for %scan3A_66 = %scan3A_5 to %scan3A_7 step %scan3A_8  : i32 {
      %mul3A_67 = arith.constant 128 : i32
      %mul3A_68 = arith.muli %scan3A_66, %mul3A_67 : i32
      %add3A_69 = arith.constant 0 : i32
      %add3A_70 = arith.addi %mul3A_68, %add3A_69 : i32
      %get3A = arith.index_cast %add3A_70 : i32 to index
      %get3A_71 = tpu.vector_load %arg6[%get3A] {strides = array<i32>} : memref<25600xf32, #tpu.memory_space<vmem>>, vector<16xf32>,
      %get3A_72 = vector.shape_cast %get3A_71 : vector<16xf32> to vector<16xf32>
      %mul3A_73 = arith.constant 1.270000e+02 : f32
      %mul3A_74 = vector.broadcast %mul3A_73 : f32 to vector<16xf32>
      %mul3A_75 = arith.mulf %get3A_72, %mul3A_74 : vector<16xf32>
      %convert_element_type3A_76 = arith.fptosi %mul3A_75 : vector<16xf32> to vector<16xi32>
      %swap3A = arith.index_cast %add3A_70 : i32 to index
      %swap3A_77 = tpu.vector_load %arg7[%swap3A] {strides = array<i32>} : memref<25600xi32, #tpu.memory_space<vmem>>, vector<16xi32>,
      %swap3A_78 = vector.shape_cast %swap3A_77 : vector<16xi32> to vector<16xi32>
      %swap3A_79 = vector.shape_cast %convert_element_type3A_76 : vector<16xi32> to vector<16xi32>
      tpu.vector_store %arg7[%swap3A], %swap3A_79 {strides = array<i32>} : memref<25600xi32, #tpu.memory_space<vmem>>, vector<16xi32>,
      %mul3A_80 = arith.constant 128 : i32
      %mul3A_81 = arith.muli %scan3A_66, %mul3A_80 : i32
      %add3A_82 = arith.constant 16 : i32
      %add3A_83 = arith.addi %mul3A_81, %add3A_82 : i32
      %get3A_84 = arith.index_cast %add3A_83 : i32 to index
      %get3A_85 = tpu.vector_load %arg6[%get3A_84] {strides = array<i32>} : memref<25600xf32, #tpu.memory_space<vmem>>, vector<16xf32>,
      %get3A_86 = vector.shape_cast %get3A_85 : vector<16xf32> to vector<16xf32>
      %mul3A_87 = arith.constant 1.270000e+02 : f32
      %mul3A_88 = vector.broadcast %mul3A_87 : f32 to vector<16xf32>
      %mul3A_89 = arith.mulf %get3A_86, %mul3A_88 : vector<16xf32>
      %convert_element_type3A_90 = arith.fptosi %mul3A_89 : vector<16xf32> to vector<16xi32>
      %swap3A_91 = arith.index_cast %add3A_83 : i32 to index
      %swap3A_92 = tpu.vector_load %arg7[%swap3A_91] {strides = array<i32>} : memref<25600xi32, #tpu.memory_space<vmem>>, vector<16xi32>,
      %swap3A_93 = vector.shape_cast %swap3A_92 : vector<16xi32> to vector<16xi32>
      %swap3A_94 = vector.shape_cast %convert_element_type3A_90 : vector<16xi32> to vector<16xi32>
      tpu.vector_store %arg7[%swap3A_91], %swap3A_94 {strides = array<i32>} : memref<25600xi32, #tpu.memory_space<vmem>>, vector<16xi32>,
      %mul3A_95 = arith.constant 128 : i32
      %mul3A_96 = arith.muli %scan3A_66, %mul3A_95 : i32
      %add3A_97 = arith.constant 32 : i32
      %add3A_98 = arith.addi %mul3A_96, %add3A_97 : i32
      %get3A_99 = arith.index_cast %add3A_98 : i32 to index
      %get3A_100 = tpu.vector_load %arg6[%get3A_99] {strides = array<i32>} : memref<25600xf32, #tpu.memory_space<vmem>>, vector<16xf32>,
      %get3A_101 = vector.shape_cast %get3A_100 : vector<16xf32> to vector<16xf32>
      %mul3A_102 = arith.constant 1.270000e+02 : f32
      %mul3A_103 = vector.broadcast %mul3A_102 : f32 to vector<16xf32>
      %mul3A_104 = arith.mulf %get3A_101, %mul3A_103 : vector<16xf32>
      %convert_element_type3A_105 = arith.fptosi %mul3A_104 : vector<16xf32> to vector<16xi32>
      %swap3A_106 = arith.index_cast %add3A_98 : i32 to index
      %swap3A_107 = tpu.vector_load %arg7[%swap3A_106] {strides = array<i32>} : memref<25600xi32, #tpu.memory_space<vmem>>, vector<16xi32>,
      %swap3A_108 = vector.shape_cast %swap3A_107 : vector<16xi32> to vector<16xi32>
      %swap3A_109 = vector.shape_cast %convert_element_type3A_105 : vector<16xi32> to vector<16xi32>
      tpu.vector_store %arg7[%swap3A_106], %swap3A_109 {strides = array<i32>} : memref<25600xi32, #tpu.memory_space<vmem>>, vector<16xi32>,
      %mul3A_110 = arith.constant 128 : i32
      %mul3A_111 = arith.muli %scan3A_66, %mul3A_110 : i32
      %add3A_112 = arith.constant 48 : i32
      %add3A_113 = arith.addi %mul3A_111, %add3A_112 : i32
      %get3A_114 = arith.index_cast %add3A_113 : i32 to index
      %get3A_115 = tpu.vector_load %arg6[%get3A_114] {strides = array<i32>} : memref<25600xf32, #tpu.memory_space<vmem>>, vector<16xf32>,
      %get3A_116 = vector.shape_cast %get3A_115 : vector<16xf32> to vector<16xf32>
      %mul3A_117 = arith.constant 1.270000e+02 : f32
      %mul3A_118 = vector.broadcast %mul3A_117 : f32 to vector<16xf32>
      %mul3A_119 = arith.mulf %get3A_116, %mul3A_118 : vector<16xf32>
      %convert_element_type3A_120 = arith.fptosi %mul3A_119 : vector<16xf32> to vector<16xi32>
      %swap3A_121 = arith.index_cast %add3A_113 : i32 to index
      %swap3A_122 = tpu.vector_load %arg7[%swap3A_121] {strides = array<i32>} : memref<25600xi32, #tpu.memory_space<vmem>>, vector<16xi32>,
      %swap3A_123 = vector.shape_cast %swap3A_122 : vector<16xi32> to vector<16xi32>
      %swap3A_124 = vector.shape_cast %convert_element_type3A_120 : vector<16xi32> to vector<16xi32>
      tpu.vector_store %arg7[%swap3A_121], %swap3A_124 {strides = array<i32>} : memref<25600xi32, #tpu.memory_space<vmem>>, vector<16xi32>,
      %mul3A_125 = arith.constant 128 : i32
      %mul3A_126 = arith.muli %scan3A_66, %mul3A_125 : i32
      %add3A_127 = arith.constant 64 : i32
      %add3A_128 = arith.addi %mul3A_126, %add3A_127 : i32
      %get3A_129 = arith.index_cast %add3A_128 : i32 to index
      %get3A_130 = tpu.vector_load %arg6[%get3A_129] {strides = array<i32>} : memref<25600xf32, #tpu.memory_space<vmem>>, vector<16xf32>,
      %get3A_131 = vector.shape_cast %get3A_130 : vector<16xf32> to vector<16xf32>
      %mul3A_132 = arith.constant 1.270000e+02 : f32
      %mul3A_133 = vector.broadcast %mul3A_132 : f32 to vector<16xf32>
      %mul3A_134 = arith.mulf %get3A_131, %mul3A_133 : vector<16xf32>
      %convert_element_type3A_135 = arith.fptosi %mul3A_134 : vector<16xf32> to vector<16xi32>
      %swap3A_136 = arith.index_cast %add3A_128 : i32 to index
      %swap3A_137 = tpu.vector_load %arg7[%swap3A_136] {strides = array<i32>} : memref<25600xi32, #tpu.memory_space<vmem>>, vector<16xi32>,
      %swap3A_138 = vector.shape_cast %swap3A_137 : vector<16xi32> to vector<16xi32>
      %swap3A_139 = vector.shape_cast %convert_element_type3A_135 : vector<16xi32> to vector<16xi32>
      tpu.vector_store %arg7[%swap3A_136], %swap3A_139 {strides = array<i32>} : memref<25600xi32, #tpu.memory_space<vmem>>, vector<16xi32>,
      %mul3A_140 = arith.constant 128 : i32
      %mul3A_141 = arith.muli %scan3A_66, %mul3A_140 : i32
      %add3A_142 = arith.constant 80 : i32
      %add3A_143 = arith.addi %mul3A_141, %add3A_142 : i32
      %get3A_144 = arith.index_cast %add3A_143 : i32 to index
      %get3A_145 = tpu.vector_load %arg6[%get3A_144] {strides = array<i32>} : memref<25600xf32, #tpu.memory_space<vmem>>, vector<16xf32>,
      %get3A_146 = vector.shape_cast %get3A_145 : vector<16xf32> to vector<16xf32>
      %mul3A_147 = arith.constant 1.270000e+02 : f32
      %mul3A_148 = vector.broadcast %mul3A_147 : f32 to vector<16xf32>
      %mul3A_149 = arith.mulf %get3A_146, %mul3A_148 : vector<16xf32>
      %convert_element_type3A_150 = arith.fptosi %mul3A_149 : vector<16xf32> to vector<16xi32>
      %swap3A_151 = arith.index_cast %add3A_143 : i32 to index
      %swap3A_152 = tpu.vector_load %arg7[%swap3A_151] {strides = array<i32>} : memref<25600xi32, #tpu.memory_space<vmem>>, vector<16xi32>,
      %swap3A_153 = vector.shape_cast %swap3A_152 : vector<16xi32> to vector<16xi32>
      %swap3A_154 = vector.shape_cast %convert_element_type3A_150 : vector<16xi32> to vector<16xi32>
      tpu.vector_store %arg7[%swap3A_151], %swap3A_154 {strides = array<i32>} : memref<25600xi32, #tpu.memory_space<vmem>>, vector<16xi32>,
      %mul3A_155 = arith.constant 128 : i32
      %mul3A_156 = arith.muli %scan3A_66, %mul3A_155 : i32
      %add3A_157 = arith.constant 96 : i32
      %add3A_158 = arith.addi %mul3A_156, %add3A_157 : i32
      %get3A_159 = arith.index_cast %add3A_158 : i32 to index
      %get3A_160 = tpu.vector_load %arg6[%get3A_159] {strides = array<i32>} : memref<25600xf32, #tpu.memory_space<vmem>>, vector<16xf32>,
      %get3A_161 = vector.shape_cast %get3A_160 : vector<16xf32> to vector<16xf32>
      %mul3A_162 = arith.constant 1.270000e+02 : f32
      %mul3A_163 = vector.broadcast %mul3A_162 : f32 to vector<16xf32>
      %mul3A_164 = arith.mulf %get3A_161, %mul3A_163 : vector<16xf32>
      %convert_element_type3A_165 = arith.fptosi %mul3A_164 : vector<16xf32> to vector<16xi32>
      %swap3A_166 = arith.index_cast %add3A_158 : i32 to index
      %swap3A_167 = tpu.vector_load %arg7[%swap3A_166] {strides = array<i32>} : memref<25600xi32, #tpu.memory_space<vmem>>, vector<16xi32>,
      %swap3A_168 = vector.shape_cast %swap3A_167 : vector<16xi32> to vector<16xi32>
      %swap3A_169 = vector.shape_cast %convert_element_type3A_165 : vector<16xi32> to vector<16xi32>
      tpu.vector_store %arg7[%swap3A_166], %swap3A_169 {strides = array<i32>} : memref<25600xi32, #tpu.memory_space<vmem>>, vector<16xi32>,
      %mul3A_170 = arith.constant 128 : i32
      %mul3A_171 = arith.muli %scan3A_66, %mul3A_170 : i32
      %add3A_172 = arith.constant 112 : i32
      %add3A_173 = arith.addi %mul3A_171, %add3A_172 : i32
      %get3A_174 = arith.index_cast %add3A_173 : i32 to index
      %get3A_175 = tpu.vector_load %arg6[%get3A_174] {strides = array<i32>} : memref<25600xf32, #tpu.memory_space<vmem>>, vector<16xf32>,
      %get3A_176 = vector.shape_cast %get3A_175 : vector<16xf32> to vector<16xf32>
      %mul3A_177 = arith.constant 1.270000e+02 : f32
      %mul3A_178 = vector.broadcast %mul3A_177 : f32 to vector<16xf32>
      %mul3A_179 = arith.mulf %get3A_176, %mul3A_178 : vector<16xf32>
      %convert_element_type3A_180 = arith.fptosi %mul3A_179 : vector<16xf32> to vector<16xi32>
      %swap3A_181 = arith.index_cast %add3A_173 : i32 to index
      %swap3A_182 = tpu.vector_load %arg7[%swap3A_181] {strides = array<i32>} : memref<25600xi32, #tpu.memory_space<vmem>>, vector<16xi32>,
      %swap3A_183 = vector.shape_cast %swap3A_182 : vector<16xi32> to vector<16xi32>
      %swap3A_184 = vector.shape_cast %convert_element_type3A_180 : vector<16xi32> to vector<16xi32>
      tpu.vector_store %arg7[%swap3A_181], %swap3A_184 {strides = array<i32>} : memref<25600xi32, #tpu.memory_space<vmem>>, vector<16xi32>,
    }
    %scan3A_9 = arith.constant 200 : i32
    %dma_start3A = arith.constant 0 : i32
    %dma_start3A_10 = arith.constant 0 : i32
    %dma_start3A_11 = tpu.memref_slice %arg8[%dma_start3A, %dma_start3A_10] : memref<1024x64xf32, #tpu.memory_space<vmem>> -> memref<128x64xf32, #tpu.memory_space<vmem>>
    %dma_start3A_12 = arith.constant 0 : i32
    %dma_start3A_13 = tpu.memref_slice %arg7[%dma_start3A_12] : memref<25600xi32, #tpu.memory_space<vmem>> -> memref<128xi32, #tpu.memory_space<vmem>>
    %dma_start3A_14 = arith.constant 0 : i32
    %dma_start3A_15 = arith.constant 0 : i32
    %dma_start3A_16 = tpu.memref_slice %arg5[%dma_start3A_14, %dma_start3A_15] : memref<127x64xf32, #tpu.memory_space<vmem_shared>> -> memref<127x64xf32, #tpu.memory_space<vmem_shared>>
    tpu.enqueue_indirect_dma source(%dma_start3A_16 : memref<127x64xf32, #tpu.memory_space<vmem_shared>>) target(%dma_start3A_11 : memref<128x64xf32, #tpu.memory_space<vmem>>) offsets(%dma_start3A_13 : memref<128xi32, #tpu.memory_space<vmem>>) semaphore(%arg9 : memref<!tpu.dma_semaphore, #tpu.memory_space<semaphore_mem>>)
    %dma_start3A_17 = arith.constant 128 : i32
    %dma_start3A_18 = arith.constant 0 : i32
    %dma_start3A_19 = tpu.memref_slice %arg8[%dma_start3A_17, %dma_start3A_18] : memref<1024x64xf32, #tpu.memory_space<vmem>> -> memref<128x64xf32, #tpu.memory_space<vmem>>
    %dma_start3A_20 = arith.constant 128 : i32
    %dma_start3A_21 = tpu.memref_slice %arg7[%dma_start3A_20] : memref<25600xi32, #tpu.memory_space<vmem>> -> memref<128xi32, #tpu.memory_space<vmem>>
    %dma_start3A_22 = arith.constant 0 : i32
    %dma_start3A_23 = arith.constant 0 : i32
    %dma_start3A_24 = tpu.memref_slice %arg5[%dma_start3A_22, %dma_start3A_23] : memref<127x64xf32, #tpu.memory_space<vmem_shared>> -> memref<127x64xf32, #tpu.memory_space<vmem_shared>>
    tpu.enqueue_indirect_dma source(%dma_start3A_24 : memref<127x64xf32, #tpu.memory_space<vmem_shared>>) target(%dma_start3A_19 : memref<128x64xf32, #tpu.memory_space<vmem>>) offsets(%dma_start3A_21 : memref<128xi32, #tpu.memory_space<vmem>>) semaphore(%arg9 : memref<!tpu.dma_semaphore, #tpu.memory_space<semaphore_mem>>)
    %dma_start3A_25 = arith.constant 256 : i32
    %dma_start3A_26 = arith.constant 0 : i32
    %dma_start3A_27 = tpu.memref_slice %arg8[%dma_start3A_25, %dma_start3A_26] : memref<1024x64xf32, #tpu.memory_space<vmem>> -> memref<128x64xf32, #tpu.memory_space<vmem>>
    %dma_start3A_28 = arith.constant 256 : i32
    %dma_start3A_29 = tpu.memref_slice %arg7[%dma_start3A_28] : memref<25600xi32, #tpu.memory_space<vmem>> -> memref<128xi32, #tpu.memory_space<vmem>>
    %dma_start3A_30 = arith.constant 0 : i32
    %dma_start3A_31 = arith.constant 0 : i32
    %dma_start3A_32 = tpu.memref_slice %arg5[%dma_start3A_30, %dma_start3A_31] : memref<127x64xf32, #tpu.memory_space<vmem_shared>> -> memref<127x64xf32, #tpu.memory_space<vmem_shared>>
    tpu.enqueue_indirect_dma source(%dma_start3A_32 : memref<127x64xf32, #tpu.memory_space<vmem_shared>>) target(%dma_start3A_27 : memref<128x64xf32, #tpu.memory_space<vmem>>) offsets(%dma_start3A_29 : memref<128xi32, #tpu.memory_space<vmem>>) semaphore(%arg10 : memref<!tpu.dma_semaphore, #tpu.memory_space<semaphore_mem>>)
    %dma_start3A_33 = arith.constant 384 : i32
    %dma_start3A_34 = arith.constant 0 : i32
    %dma_start3A_35 = tpu.memref_slice %arg8[%dma_start3A_33, %dma_start3A_34] : memref<1024x64xf32, #tpu.memory_space<vmem>> -> memref<128x64xf32, #tpu.memory_space<vmem>>
    %dma_start3A_36 = arith.constant 384 : i32
    %dma_start3A_37 = tpu.memref_slice %arg7[%dma_start3A_36] : memref<25600xi32, #tpu.memory_space<vmem>> -> memref<128xi32, #tpu.memory_space<vmem>>
    %dma_start3A_38 = arith.constant 0 : i32
    %dma_start3A_39 = arith.constant 0 : i32
    %dma_start3A_40 = tpu.memref_slice %arg5[%dma_start3A_38, %dma_start3A_39] : memref<127x64xf32, #tpu.memory_space<vmem_shared>> -> memref<127x64xf32, #tpu.memory_space<vmem_shared>>
    tpu.enqueue_indirect_dma source(%dma_start3A_40 : memref<127x64xf32, #tpu.memory_space<vmem_shared>>) target(%dma_start3A_35 : memref<128x64xf32, #tpu.memory_space<vmem>>) offsets(%dma_start3A_37 : memref<128xi32, #tpu.memory_space<vmem>>) semaphore(%arg10 : memref<!tpu.dma_semaphore, #tpu.memory_space<semaphore_mem>>)
    %scan3A_41 = arith.constant 0 : i32
    %scan3A_42 = arith.constant 0 : i32
    %scan3A_43 = arith.constant 25 : i32
    %scan3A_44 = arith.addi %scan3A_42, %scan3A_43 : i32
    %scan3A_45 = arith.constant 1 : i32
    scf.for %scan3A_66 = %scan3A_42 to %scan3A_44 step %scan3A_45  : i32 {
      %mul3A_67 = arith.constant 4 : i32
      %mul3A_68 = arith.muli %scan3A_66, %mul3A_67 : i32
      %add3A_69 = arith.constant 0 : i32
      %add3A_70 = arith.addi %mul3A_68, %add3A_69 : i32
      %dma_wait3A_71 = arith.constant 0 : i32
      %dma_wait3A_72 = arith.constant 0 : i32
      %dma_wait3A_73 = tpu.memref_slice %arg8[%dma_wait3A_71, %dma_wait3A_72] : memref<1024x64xf32, #tpu.memory_space<vmem>> -> memref<128x64xf32, #tpu.memory_space<vmem>>
      %dma_wait3A_74 = arith.constant 0 : i32
      %dma_wait3A_75 = tpu.memref_slice %arg7[%dma_wait3A_74] : memref<25600xi32, #tpu.memory_space<vmem>> -> memref<128xi32, #tpu.memory_space<vmem>>
      %dma_wait3A_76 = arith.constant 0 : i32
      %dma_wait3A_77 = arith.constant 0 : i32
      %dma_wait3A_78 = tpu.memref_slice %arg5[%dma_wait3A_76, %dma_wait3A_77] : memref<127x64xf32, #tpu.memory_space<vmem_shared>> -> memref<127x64xf32, #tpu.memory_space<vmem_shared>>
      tpu.wait_indirect_dma semaphore(%arg9 : memref<!tpu.dma_semaphore, #tpu.memory_space<semaphore_mem>>) src(%dma_wait3A_78 : memref<127x64xf32, #tpu.memory_space<vmem_shared>>) dst(%dma_wait3A_73 : memref<128x64xf32, #tpu.memory_space<vmem>>)
      %dma_wait3A_79 = arith.constant 128 : i32
      %dma_wait3A_80 = arith.constant 0 : i32
      %dma_wait3A_81 = tpu.memref_slice %arg8[%dma_wait3A_79, %dma_wait3A_80] : memref<1024x64xf32, #tpu.memory_space<vmem>> -> memref<128x64xf32, #tpu.memory_space<vmem>>
      %dma_wait3A_82 = arith.constant 0 : i32
      %dma_wait3A_83 = tpu.memref_slice %arg7[%dma_wait3A_82] : memref<25600xi32, #tpu.memory_space<vmem>> -> memref<128xi32, #tpu.memory_space<vmem>>
      %dma_wait3A_84 = arith.constant 0 : i32
      %dma_wait3A_85 = arith.constant 0 : i32
      %dma_wait3A_86 = tpu.memref_slice %arg5[%dma_wait3A_84, %dma_wait3A_85] : memref<127x64xf32, #tpu.memory_space<vmem_shared>> -> memref<127x64xf32, #tpu.memory_space<vmem_shared>>
      tpu.wait_indirect_dma semaphore(%arg9 : memref<!tpu.dma_semaphore, #tpu.memory_space<semaphore_mem>>) src(%dma_wait3A_86 : memref<127x64xf32, #tpu.memory_space<vmem_shared>>) dst(%dma_wait3A_81 : memref<128x64xf32, #tpu.memory_space<vmem>>)
      %mul3A_87 = arith.constant 256 : i32
      %mul3A_88 = arith.muli %add3A_70, %mul3A_87 : i32
      %add3A_89 = arith.addi %mul3A_2, %mul3A_88 : i32
      %dma_start3A_90 = arith.constant 0 : i32
      %dma_start3A_91 = arith.constant 0 : i32
      %dma_start3A_92 = tpu.memref_slice %arg8[%dma_start3A_90, %dma_start3A_91] : memref<1024x64xf32, #tpu.memory_space<vmem>> -> memref<256x64xf32, #tpu.memory_space<vmem>>
      %dma_start3A_93 = arith.constant 0 : i32
      %dma_start3A_94 = tpu.memref_slice %arg4[%add3A_89, %dma_start3A_93] : memref<819200x64xf32, #tpu.memory_space<hbm>> -> memref<256x64xf32, #tpu.memory_space<hbm>>
      %dma_start3A_95 = arith.constant 0 : i32
      %dma_start3A_96 = tpu.memref_slice %arg4[%add3A_89, %dma_start3A_95] : memref<819200x64xf32, #tpu.memory_space<hbm>> -> memref<256x64xf32, #tpu.memory_space<hbm>>
      %dma_start3A_97 = arith.constant 0 : i32
      %dma_start3A_98 = arith.constant 0 : i32
      %dma_start3A_99 = tpu.memref_slice %arg8[%dma_start3A_97, %dma_start3A_98] : memref<1024x64xf32, #tpu.memory_space<vmem>> -> memref<256x64xf32, #tpu.memory_space<vmem>>
      tpu.enqueue_dma source(%dma_start3A_99 : memref<256x64xf32, #tpu.memory_space<vmem>>) target(%dma_start3A_96 : memref<256x64xf32, #tpu.memory_space<hbm>>) target_semaphore(%arg13 : memref<!tpu.dma_semaphore, #tpu.memory_space<semaphore_mem>>)
      %ge3A = arith.constant 2 : i32
      %ge3A_100 = arith.cmpi sge, %add3A_70, %ge3A : i32
      %convert_element_type3A_101 = arith.extui %ge3A_100 : i1 to i32
      %cond3A_102 = arith.constant 0 : i32
      %cond3A_103 = arith.cmpi ne, %convert_element_type3A_101, %cond3A_102 : i32
      scf.if %cond3A_103 {
        %dma_wait3A_245 = arith.constant 0 : i32
        %dma_wait3A_246 = arith.constant 0 : i32
        %dma_wait3A_247 = tpu.memref_slice %arg8[%dma_wait3A_245, %dma_wait3A_246] : memref<1024x64xf32, #tpu.memory_space<vmem>> -> memref<256x64xf32, #tpu.memory_space<vmem>>
        %dma_wait3A_248 = arith.constant 0 : i32
        %dma_wait3A_249 = tpu.memref_slice %arg4[%mul3A_2, %dma_wait3A_248] : memref<819200x64xf32, #tpu.memory_space<hbm>> -> memref<256x64xf32, #tpu.memory_space<hbm>>
        %dma_wait3A_250 = arith.constant 0 : i32
        %dma_wait3A_251 = tpu.memref_slice %arg4[%mul3A_2, %dma_wait3A_250] : memref<819200x64xf32, #tpu.memory_space<hbm>> -> memref<256x64xf32, #tpu.memory_space<hbm>>
        %dma_wait3A_252 = arith.constant 0 : i32
        %dma_wait3A_253 = arith.constant 0 : i32
        %dma_wait3A_254 = tpu.memref_slice %arg8[%dma_wait3A_252, %dma_wait3A_253] : memref<1024x64xf32, #tpu.memory_space<vmem>> -> memref<256x64xf32, #tpu.memory_space<vmem>>
        tpu.wait_dma2 semaphore(%arg13 : memref<!tpu.dma_semaphore, #tpu.memory_space<semaphore_mem>>) src(%dma_wait3A_254 : memref<256x64xf32, #tpu.memory_space<vmem>>) dst(%dma_wait3A_251 : memref<256x64xf32, #tpu.memory_space<hbm>>)
      } else {
      }
      %add3A_104 = arith.constant 2 : i32
      %add3A_105 = arith.addi %add3A_70, %add3A_104 : i32
      %lt3A = arith.constant 100 : i32
      %lt3A_106 = arith.cmpi slt, %add3A_105, %lt3A : i32
      %convert_element_type3A_107 = arith.extui %lt3A_106 : i1 to i32
      %cond3A_108 = arith.constant 0 : i32
      %cond3A_109 = arith.cmpi ne, %convert_element_type3A_107, %cond3A_108 : i32
      scf.if %cond3A_109 {
        %add3A_245 = arith.constant 2 : i32
        %add3A_246 = arith.addi %add3A_70, %add3A_245 : i32
        %mul3A_247 = arith.constant 256 : i32
        %mul3A_248 = arith.muli %add3A_246, %mul3A_247 : i32
        %add3A_249 = arith.constant 0 : i32
        %add3A_250 = arith.addi %mul3A_248, %add3A_249 : i32
        %dma_start3A_251 = arith.constant 512 : i32
        %dma_start3A_252 = arith.constant 0 : i32
        %dma_start3A_253 = tpu.memref_slice %arg8[%dma_start3A_251, %dma_start3A_252] : memref<1024x64xf32, #tpu.memory_space<vmem>> -> memref<128x64xf32, #tpu.memory_space<vmem>>
        %dma_start3A_254 = tpu.memref_slice %arg7[%add3A_250] : memref<25600xi32, #tpu.memory_space<vmem>> -> memref<128xi32, #tpu.memory_space<vmem>>
        %dma_start3A_255 = arith.constant 0 : i32
        %dma_start3A_256 = arith.constant 0 : i32
        %dma_start3A_257 = tpu.memref_slice %arg5[%dma_start3A_255, %dma_start3A_256] : memref<127x64xf32, #tpu.memory_space<vmem_shared>> -> memref<127x64xf32, #tpu.memory_space<vmem_shared>>
        tpu.enqueue_indirect_dma source(%dma_start3A_257 : memref<127x64xf32, #tpu.memory_space<vmem_shared>>) target(%dma_start3A_253 : memref<128x64xf32, #tpu.memory_space<vmem>>) offsets(%dma_start3A_254 : memref<128xi32, #tpu.memory_space<vmem>>) semaphore(%arg11 : memref<!tpu.dma_semaphore, #tpu.memory_space<semaphore_mem>>)
        %mul3A_258 = arith.constant 256 : i32
        %mul3A_259 = arith.muli %add3A_246, %mul3A_258 : i32
        %add3A_260 = arith.constant 128 : i32
        %add3A_261 = arith.addi %mul3A_259, %add3A_260 : i32
        %dma_start3A_262 = arith.constant 640 : i32
        %dma_start3A_263 = arith.constant 0 : i32
        %dma_start3A_264 = tpu.memref_slice %arg8[%dma_start3A_262, %dma_start3A_263] : memref<1024x64xf32, #tpu.memory_space<vmem>> -> memref<128x64xf32, #tpu.memory_space<vmem>>
        %dma_start3A_265 = tpu.memref_slice %arg7[%add3A_261] : memref<25600xi32, #tpu.memory_space<vmem>> -> memref<128xi32, #tpu.memory_space<vmem>>
        %dma_start3A_266 = arith.constant 0 : i32
        %dma_start3A_267 = arith.constant 0 : i32
        %dma_start3A_268 = tpu.memref_slice %arg5[%dma_start3A_266, %dma_start3A_267] : memref<127x64xf32, #tpu.memory_space<vmem_shared>> -> memref<127x64xf32, #tpu.memory_space<vmem_shared>>
        tpu.enqueue_indirect_dma source(%dma_start3A_268 : memref<127x64xf32, #tpu.memory_space<vmem_shared>>) target(%dma_start3A_264 : memref<128x64xf32, #tpu.memory_space<vmem>>) offsets(%dma_start3A_265 : memref<128xi32, #tpu.memory_space<vmem>>) semaphore(%arg11 : memref<!tpu.dma_semaphore, #tpu.memory_space<semaphore_mem>>)
      } else {
      }
      %mul3A_110 = arith.constant 4 : i32
      %mul3A_111 = arith.muli %scan3A_66, %mul3A_110 : i32
      %add3A_112 = arith.constant 1 : i32
      %add3A_113 = arith.addi %mul3A_111, %add3A_112 : i32
      %dma_wait3A_114 = arith.constant 256 : i32
      %dma_wait3A_115 = arith.constant 0 : i32
      %dma_wait3A_116 = tpu.memref_slice %arg8[%dma_wait3A_114, %dma_wait3A_115] : memref<1024x64xf32, #tpu.memory_space<vmem>> -> memref<128x64xf32, #tpu.memory_space<vmem>>
      %dma_wait3A_117 = arith.constant 0 : i32
      %dma_wait3A_118 = tpu.memref_slice %arg7[%dma_wait3A_117] : memref<25600xi32, #tpu.memory_space<vmem>> -> memref<128xi32, #tpu.memory_space<vmem>>
      %dma_wait3A_119 = arith.constant 0 : i32
      %dma_wait3A_120 = arith.constant 0 : i32
      %dma_wait3A_121 = tpu.memref_slice %arg5[%dma_wait3A_119, %dma_wait3A_120] : memref<127x64xf32, #tpu.memory_space<vmem_shared>> -> memref<127x64xf32, #tpu.memory_space<vmem_shared>>
      tpu.wait_indirect_dma semaphore(%arg10 : memref<!tpu.dma_semaphore, #tpu.memory_space<semaphore_mem>>) src(%dma_wait3A_121 : memref<127x64xf32, #tpu.memory_space<vmem_shared>>) dst(%dma_wait3A_116 : memref<128x64xf32, #tpu.memory_space<vmem>>)
      %dma_wait3A_122 = arith.constant 384 : i32
      %dma_wait3A_123 = arith.constant 0 : i32
      %dma_wait3A_124 = tpu.memref_slice %arg8[%dma_wait3A_122, %dma_wait3A_123] : memref<1024x64xf32, #tpu.memory_space<vmem>> -> memref<128x64xf32, #tpu.memory_space<vmem>>
      %dma_wait3A_125 = arith.constant 0 : i32
      %dma_wait3A_126 = tpu.memref_slice %arg7[%dma_wait3A_125] : memref<25600xi32, #tpu.memory_space<vmem>> -> memref<128xi32, #tpu.memory_space<vmem>>
      %dma_wait3A_127 = arith.constant 0 : i32
      %dma_wait3A_128 = arith.constant 0 : i32
      %dma_wait3A_129 = tpu.memref_slice %arg5[%dma_wait3A_127, %dma_wait3A_128] : memref<127x64xf32, #tpu.memory_space<vmem_shared>> -> memref<127x64xf32, #tpu.memory_space<vmem_shared>>
      tpu.wait_indirect_dma semaphore(%arg10 : memref<!tpu.dma_semaphore, #tpu.memory_space<semaphore_mem>>) src(%dma_wait3A_129 : memref<127x64xf32, #tpu.memory_space<vmem_shared>>) dst(%dma_wait3A_124 : memref<128x64xf32, #tpu.memory_space<vmem>>)
      %mul3A_130 = arith.constant 256 : i32
      %mul3A_131 = arith.muli %add3A_113, %mul3A_130 : i32
      %add3A_132 = arith.addi %mul3A_2, %mul3A_131 : i32
      %dma_start3A_133 = arith.constant 256 : i32
      %dma_start3A_134 = arith.constant 0 : i32
      %dma_start3A_135 = tpu.memref_slice %arg8[%dma_start3A_133, %dma_start3A_134] : memref<1024x64xf32, #tpu.memory_space<vmem>> -> memref<256x64xf32, #tpu.memory_space<vmem>>
      %dma_start3A_136 = arith.constant 0 : i32
      %dma_start3A_137 = tpu.memref_slice %arg4[%add3A_132, %dma_start3A_136] : memref<819200x64xf32, #tpu.memory_space<hbm>> -> memref<256x64xf32, #tpu.memory_space<hbm>>
      %dma_start3A_138 = arith.constant 0 : i32
      %dma_start3A_139 = tpu.memref_slice %arg4[%add3A_132, %dma_start3A_138] : memref<819200x64xf32, #tpu.memory_space<hbm>> -> memref<256x64xf32, #tpu.memory_space<hbm>>
      %dma_start3A_140 = arith.constant 256 : i32
      %dma_start3A_141 = arith.constant 0 : i32
      %dma_start3A_142 = tpu.memref_slice %arg8[%dma_start3A_140, %dma_start3A_141] : memref<1024x64xf32, #tpu.memory_space<vmem>> -> memref<256x64xf32, #tpu.memory_space<vmem>>
      tpu.enqueue_dma source(%dma_start3A_142 : memref<256x64xf32, #tpu.memory_space<vmem>>) target(%dma_start3A_139 : memref<256x64xf32, #tpu.memory_space<hbm>>) target_semaphore(%arg13 : memref<!tpu.dma_semaphore, #tpu.memory_space<semaphore_mem>>)
      %ge3A_143 = arith.constant 2 : i32
      %ge3A_144 = arith.cmpi sge, %add3A_113, %ge3A_143 : i32
      %convert_element_type3A_145 = arith.extui %ge3A_144 : i1 to i32
      %cond3A_146 = arith.constant 0 : i32
      %cond3A_147 = arith.cmpi ne, %convert_element_type3A_145, %cond3A_146 : i32
      scf.if %cond3A_147 {
        %dma_wait3A_245 = arith.constant 256 : i32
        %dma_wait3A_246 = arith.constant 0 : i32
        %dma_wait3A_247 = tpu.memref_slice %arg8[%dma_wait3A_245, %dma_wait3A_246] : memref<1024x64xf32, #tpu.memory_space<vmem>> -> memref<256x64xf32, #tpu.memory_space<vmem>>
        %dma_wait3A_248 = arith.constant 0 : i32
        %dma_wait3A_249 = tpu.memref_slice %arg4[%mul3A_2, %dma_wait3A_248] : memref<819200x64xf32, #tpu.memory_space<hbm>> -> memref<256x64xf32, #tpu.memory_space<hbm>>
        %dma_wait3A_250 = arith.constant 0 : i32
        %dma_wait3A_251 = tpu.memref_slice %arg4[%mul3A_2, %dma_wait3A_250] : memref<819200x64xf32, #tpu.memory_space<hbm>> -> memref<256x64xf32, #tpu.memory_space<hbm>>
        %dma_wait3A_252 = arith.constant 256 : i32
        %dma_wait3A_253 = arith.constant 0 : i32
        %dma_wait3A_254 = tpu.memref_slice %arg8[%dma_wait3A_252, %dma_wait3A_253] : memref<1024x64xf32, #tpu.memory_space<vmem>> -> memref<256x64xf32, #tpu.memory_space<vmem>>
        tpu.wait_dma2 semaphore(%arg13 : memref<!tpu.dma_semaphore, #tpu.memory_space<semaphore_mem>>) src(%dma_wait3A_254 : memref<256x64xf32, #tpu.memory_space<vmem>>) dst(%dma_wait3A_251 : memref<256x64xf32, #tpu.memory_space<hbm>>)
      } else {
      }
      %add3A_148 = arith.constant 2 : i32
      %add3A_149 = arith.addi %add3A_113, %add3A_148 : i32
      %lt3A_150 = arith.constant 100 : i32
      %lt3A_151 = arith.cmpi slt, %add3A_149, %lt3A_150 : i32
      %convert_element_type3A_152 = arith.extui %lt3A_151 : i1 to i32
      %cond3A_153 = arith.constant 0 : i32
      %cond3A_154 = arith.cmpi ne, %convert_element_type3A_152, %cond3A_153 : i32
      scf.if %cond3A_154 {
        %add3A_245 = arith.constant 2 : i32
        %add3A_246 = arith.addi %add3A_113, %add3A_245 : i32
        %mul3A_247 = arith.constant 256 : i32
        %mul3A_248 = arith.muli %add3A_246, %mul3A_247 : i32
        %add3A_249 = arith.constant 0 : i32
        %add3A_250 = arith.addi %mul3A_248, %add3A_249 : i32
        %dma_start3A_251 = arith.constant 768 : i32
        %dma_start3A_252 = arith.constant 0 : i32
        %dma_start3A_253 = tpu.memref_slice %arg8[%dma_start3A_251, %dma_start3A_252] : memref<1024x64xf32, #tpu.memory_space<vmem>> -> memref<128x64xf32, #tpu.memory_space<vmem>>
        %dma_start3A_254 = tpu.memref_slice %arg7[%add3A_250] : memref<25600xi32, #tpu.memory_space<vmem>> -> memref<128xi32, #tpu.memory_space<vmem>>
        %dma_start3A_255 = arith.constant 0 : i32
        %dma_start3A_256 = arith.constant 0 : i32
        %dma_start3A_257 = tpu.memref_slice %arg5[%dma_start3A_255, %dma_start3A_256] : memref<127x64xf32, #tpu.memory_space<vmem_shared>> -> memref<127x64xf32, #tpu.memory_space<vmem_shared>>
        tpu.enqueue_indirect_dma source(%dma_start3A_257 : memref<127x64xf32, #tpu.memory_space<vmem_shared>>) target(%dma_start3A_253 : memref<128x64xf32, #tpu.memory_space<vmem>>) offsets(%dma_start3A_254 : memref<128xi32, #tpu.memory_space<vmem>>) semaphore(%arg12 : memref<!tpu.dma_semaphore, #tpu.memory_space<semaphore_mem>>)
        %mul3A_258 = arith.constant 256 : i32
        %mul3A_259 = arith.muli %add3A_246, %mul3A_258 : i32
        %add3A_260 = arith.constant 128 : i32
        %add3A_261 = arith.addi %mul3A_259, %add3A_260 : i32
        %dma_start3A_262 = arith.constant 896 : i32
        %dma_start3A_263 = arith.constant 0 : i32
        %dma_start3A_264 = tpu.memref_slice %arg8[%dma_start3A_262, %dma_start3A_263] : memref<1024x64xf32, #tpu.memory_space<vmem>> -> memref<128x64xf32, #tpu.memory_space<vmem>>
        %dma_start3A_265 = tpu.memref_slice %arg7[%add3A_261] : memref<25600xi32, #tpu.memory_space<vmem>> -> memref<128xi32, #tpu.memory_space<vmem>>
        %dma_start3A_266 = arith.constant 0 : i32
        %dma_start3A_267 = arith.constant 0 : i32
        %dma_start3A_268 = tpu.memref_slice %arg5[%dma_start3A_266, %dma_start3A_267] : memref<127x64xf32, #tpu.memory_space<vmem_shared>> -> memref<127x64xf32, #tpu.memory_space<vmem_shared>>
        tpu.enqueue_indirect_dma source(%dma_start3A_268 : memref<127x64xf32, #tpu.memory_space<vmem_shared>>) target(%dma_start3A_264 : memref<128x64xf32, #tpu.memory_space<vmem>>) offsets(%dma_start3A_265 : memref<128xi32, #tpu.memory_space<vmem>>) semaphore(%arg12 : memref<!tpu.dma_semaphore, #tpu.memory_space<semaphore_mem>>)
      } else {
      }
      %mul3A_155 = arith.constant 4 : i32
      %mul3A_156 = arith.muli %scan3A_66, %mul3A_155 : i32
      %add3A_157 = arith.constant 2 : i32
      %add3A_158 = arith.addi %mul3A_156, %add3A_157 : i32
      %dma_wait3A_159 = arith.constant 512 : i32
      %dma_wait3A_160 = arith.constant 0 : i32
      %dma_wait3A_161 = tpu.memref_slice %arg8[%dma_wait3A_159, %dma_wait3A_160] : memref<1024x64xf32, #tpu.memory_space<vmem>> -> memref<128x64xf32, #tpu.memory_space<vmem>>
      %dma_wait3A_162 = arith.constant 0 : i32
      %dma_wait3A_163 = tpu.memref_slice %arg7[%dma_wait3A_162] : memref<25600xi32, #tpu.memory_space<vmem>> -> memref<128xi32, #tpu.memory_space<vmem>>
      %dma_wait3A_164 = arith.constant 0 : i32
      %dma_wait3A_165 = arith.constant 0 : i32
      %dma_wait3A_166 = tpu.memref_slice %arg5[%dma_wait3A_164, %dma_wait3A_165] : memref<127x64xf32, #tpu.memory_space<vmem_shared>> -> memref<127x64xf32, #tpu.memory_space<vmem_shared>>
      tpu.wait_indirect_dma semaphore(%arg11 : memref<!tpu.dma_semaphore, #tpu.memory_space<semaphore_mem>>) src(%dma_wait3A_166 : memref<127x64xf32, #tpu.memory_space<vmem_shared>>) dst(%dma_wait3A_161 : memref<128x64xf32, #tpu.memory_space<vmem>>)
      %dma_wait3A_167 = arith.constant 640 : i32
      %dma_wait3A_168 = arith.constant 0 : i32
      %dma_wait3A_169 = tpu.memref_slice %arg8[%dma_wait3A_167, %dma_wait3A_168] : memref<1024x64xf32, #tpu.memory_space<vmem>> -> memref<128x64xf32, #tpu.memory_space<vmem>>
      %dma_wait3A_170 = arith.constant 0 : i32
      %dma_wait3A_171 = tpu.memref_slice %arg7[%dma_wait3A_170] : memref<25600xi32, #tpu.memory_space<vmem>> -> memref<128xi32, #tpu.memory_space<vmem>>
      %dma_wait3A_172 = arith.constant 0 : i32
      %dma_wait3A_173 = arith.constant 0 : i32
      %dma_wait3A_174 = tpu.memref_slice %arg5[%dma_wait3A_172, %dma_wait3A_173] : memref<127x64xf32, #tpu.memory_space<vmem_shared>> -> memref<127x64xf32, #tpu.memory_space<vmem_shared>>
      tpu.wait_indirect_dma semaphore(%arg11 : memref<!tpu.dma_semaphore, #tpu.memory_space<semaphore_mem>>) src(%dma_wait3A_174 : memref<127x64xf32, #tpu.memory_space<vmem_shared>>) dst(%dma_wait3A_169 : memref<128x64xf32, #tpu.memory_space<vmem>>)
      %mul3A_175 = arith.constant 256 : i32
      %mul3A_176 = arith.muli %add3A_158, %mul3A_175 : i32
      %add3A_177 = arith.addi %mul3A_2, %mul3A_176 : i32
      %dma_start3A_178 = arith.constant 512 : i32
      %dma_start3A_179 = arith.constant 0 : i32
      %dma_start3A_180 = tpu.memref_slice %arg8[%dma_start3A_178, %dma_start3A_179] : memref<1024x64xf32, #tpu.memory_space<vmem>> -> memref<256x64xf32, #tpu.memory_space<vmem>>
      %dma_start3A_181 = arith.constant 0 : i32
      %dma_start3A_182 = tpu.memref_slice %arg4[%add3A_177, %dma_start3A_181] : memref<819200x64xf32, #tpu.memory_space<hbm>> -> memref<256x64xf32, #tpu.memory_space<hbm>>
      %dma_start3A_183 = arith.constant 0 : i32
      %dma_start3A_184 = tpu.memref_slice %arg4[%add3A_177, %dma_start3A_183] : memref<819200x64xf32, #tpu.memory_space<hbm>> -> memref<256x64xf32, #tpu.memory_space<hbm>>
      %dma_start3A_185 = arith.constant 512 : i32
      %dma_start3A_186 = arith.constant 0 : i32
      %dma_start3A_187 = tpu.memref_slice %arg8[%dma_start3A_185, %dma_start3A_186] : memref<1024x64xf32, #tpu.memory_space<vmem>> -> memref<256x64xf32, #tpu.memory_space<vmem>>
      tpu.enqueue_dma source(%dma_start3A_187 : memref<256x64xf32, #tpu.memory_space<vmem>>) target(%dma_start3A_184 : memref<256x64xf32, #tpu.memory_space<hbm>>) target_semaphore(%arg13 : memref<!tpu.dma_semaphore, #tpu.memory_space<semaphore_mem>>)
      %ge3A_188 = arith.constant 2 : i32
      %ge3A_189 = arith.cmpi sge, %add3A_158, %ge3A_188 : i32
      %convert_element_type3A_190 = arith.extui %ge3A_189 : i1 to i32
      %cond3A_191 = arith.constant 0 : i32
      %cond3A_192 = arith.cmpi ne, %convert_element_type3A_190, %cond3A_191 : i32
      scf.if %cond3A_192 {
        %dma_wait3A_245 = arith.constant 512 : i32
        %dma_wait3A_246 = arith.constant 0 : i32
        %dma_wait3A_247 = tpu.memref_slice %arg8[%dma_wait3A_245, %dma_wait3A_246] : memref<1024x64xf32, #tpu.memory_space<vmem>> -> memref<256x64xf32, #tpu.memory_space<vmem>>
        %dma_wait3A_248 = arith.constant 0 : i32
        %dma_wait3A_249 = tpu.memref_slice %arg4[%mul3A_2, %dma_wait3A_248] : memref<819200x64xf32, #tpu.memory_space<hbm>> -> memref<256x64xf32, #tpu.memory_space<hbm>>
        %dma_wait3A_250 = arith.constant 0 : i32
        %dma_wait3A_251 = tpu.memref_slice %arg4[%mul3A_2, %dma_wait3A_250] : memref<819200x64xf32, #tpu.memory_space<hbm>> -> memref<256x64xf32, #tpu.memory_space<hbm>>
        %dma_wait3A_252 = arith.constant 512 : i32
        %dma_wait3A_253 = arith.constant 0 : i32
        %dma_wait3A_254 = tpu.memref_slice %arg8[%dma_wait3A_252, %dma_wait3A_253] : memref<1024x64xf32, #tpu.memory_space<vmem>> -> memref<256x64xf32, #tpu.memory_space<vmem>>
        tpu.wait_dma2 semaphore(%arg13 : memref<!tpu.dma_semaphore, #tpu.memory_space<semaphore_mem>>) src(%dma_wait3A_254 : memref<256x64xf32, #tpu.memory_space<vmem>>) dst(%dma_wait3A_251 : memref<256x64xf32, #tpu.memory_space<hbm>>)
      } else {
      }
      %add3A_193 = arith.constant 2 : i32
      %add3A_194 = arith.addi %add3A_158, %add3A_193 : i32
      %lt3A_195 = arith.constant 100 : i32
      %lt3A_196 = arith.cmpi slt, %add3A_194, %lt3A_195 : i32
      %convert_element_type3A_197 = arith.extui %lt3A_196 : i1 to i32
      %cond3A_198 = arith.constant 0 : i32
      %cond3A_199 = arith.cmpi ne, %convert_element_type3A_197, %cond3A_198 : i32
      scf.if %cond3A_199 {
        %add3A_245 = arith.constant 2 : i32
        %add3A_246 = arith.addi %add3A_158, %add3A_245 : i32
        %mul3A_247 = arith.constant 256 : i32
        %mul3A_248 = arith.muli %add3A_246, %mul3A_247 : i32
        %add3A_249 = arith.constant 0 : i32
        %add3A_250 = arith.addi %mul3A_248, %add3A_249 : i32
        %dma_start3A_251 = arith.constant 0 : i32
        %dma_start3A_252 = arith.constant 0 : i32
        %dma_start3A_253 = tpu.memref_slice %arg8[%dma_start3A_251, %dma_start3A_252] : memref<1024x64xf32, #tpu.memory_space<vmem>> -> memref<128x64xf32, #tpu.memory_space<vmem>>
        %dma_start3A_254 = tpu.memref_slice %arg7[%add3A_250] : memref<25600xi32, #tpu.memory_space<vmem>> -> memref<128xi32, #tpu.memory_space<vmem>>
        %dma_start3A_255 = arith.constant 0 : i32
        %dma_start3A_256 = arith.constant 0 : i32
        %dma_start3A_257 = tpu.memref_slice %arg5[%dma_start3A_255, %dma_start3A_256] : memref<127x64xf32, #tpu.memory_space<vmem_shared>> -> memref<127x64xf32, #tpu.memory_space<vmem_shared>>
        tpu.enqueue_indirect_dma source(%dma_start3A_257 : memref<127x64xf32, #tpu.memory_space<vmem_shared>>) target(%dma_start3A_253 : memref<128x64xf32, #tpu.memory_space<vmem>>) offsets(%dma_start3A_254 : memref<128xi32, #tpu.memory_space<vmem>>) semaphore(%arg9 : memref<!tpu.dma_semaphore, #tpu.memory_space<semaphore_mem>>)
        %mul3A_258 = arith.constant 256 : i32
        %mul3A_259 = arith.muli %add3A_246, %mul3A_258 : i32
        %add3A_260 = arith.constant 128 : i32
        %add3A_261 = arith.addi %mul3A_259, %add3A_260 : i32
        %dma_start3A_262 = arith.constant 128 : i32
        %dma_start3A_263 = arith.constant 0 : i32
        %dma_start3A_264 = tpu.memref_slice %arg8[%dma_start3A_262, %dma_start3A_263] : memref<1024x64xf32, #tpu.memory_space<vmem>> -> memref<128x64xf32, #tpu.memory_space<vmem>>
        %dma_start3A_265 = tpu.memref_slice %arg7[%add3A_261] : memref<25600xi32, #tpu.memory_space<vmem>> -> memref<128xi32, #tpu.memory_space<vmem>>
        %dma_start3A_266 = arith.constant 0 : i32
        %dma_start3A_267 = arith.constant 0 : i32
        %dma_start3A_268 = tpu.memref_slice %arg5[%dma_start3A_266, %dma_start3A_267] : memref<127x64xf32, #tpu.memory_space<vmem_shared>> -> memref<127x64xf32, #tpu.memory_space<vmem_shared>>
        tpu.enqueue_indirect_dma source(%dma_start3A_268 : memref<127x64xf32, #tpu.memory_space<vmem_shared>>) target(%dma_start3A_264 : memref<128x64xf32, #tpu.memory_space<vmem>>) offsets(%dma_start3A_265 : memref<128xi32, #tpu.memory_space<vmem>>) semaphore(%arg9 : memref<!tpu.dma_semaphore, #tpu.memory_space<semaphore_mem>>)
      } else {
      }
      %mul3A_200 = arith.constant 4 : i32
      %mul3A_201 = arith.muli %scan3A_66, %mul3A_200 : i32
      %add3A_202 = arith.constant 3 : i32
      %add3A_203 = arith.addi %mul3A_201, %add3A_202 : i32
      %dma_wait3A_204 = arith.constant 768 : i32
      %dma_wait3A_205 = arith.constant 0 : i32
      %dma_wait3A_206 = tpu.memref_slice %arg8[%dma_wait3A_204, %dma_wait3A_205] : memref<1024x64xf32, #tpu.memory_space<vmem>> -> memref<128x64xf32, #tpu.memory_space<vmem>>
      %dma_wait3A_207 = arith.constant 0 : i32
      %dma_wait3A_208 = tpu.memref_slice %arg7[%dma_wait3A_207] : memref<25600xi32, #tpu.memory_space<vmem>> -> memref<128xi32, #tpu.memory_space<vmem>>
      %dma_wait3A_209 = arith.constant 0 : i32
      %dma_wait3A_210 = arith.constant 0 : i32
      %dma_wait3A_211 = tpu.memref_slice %arg5[%dma_wait3A_209, %dma_wait3A_210] : memref<127x64xf32, #tpu.memory_space<vmem_shared>> -> memref<127x64xf32, #tpu.memory_space<vmem_shared>>
      tpu.wait_indirect_dma semaphore(%arg12 : memref<!tpu.dma_semaphore, #tpu.memory_space<semaphore_mem>>) src(%dma_wait3A_211 : memref<127x64xf32, #tpu.memory_space<vmem_shared>>) dst(%dma_wait3A_206 : memref<128x64xf32, #tpu.memory_space<vmem>>)
      %dma_wait3A_212 = arith.constant 896 : i32
      %dma_wait3A_213 = arith.constant 0 : i32
      %dma_wait3A_214 = tpu.memref_slice %arg8[%dma_wait3A_212, %dma_wait3A_213] : memref<1024x64xf32, #tpu.memory_space<vmem>> -> memref<128x64xf32, #tpu.memory_space<vmem>>
      %dma_wait3A_215 = arith.constant 0 : i32
      %dma_wait3A_216 = tpu.memref_slice %arg7[%dma_wait3A_215] : memref<25600xi32, #tpu.memory_space<vmem>> -> memref<128xi32, #tpu.memory_space<vmem>>
      %dma_wait3A_217 = arith.constant 0 : i32
      %dma_wait3A_218 = arith.constant 0 : i32
      %dma_wait3A_219 = tpu.memref_slice %arg5[%dma_wait3A_217, %dma_wait3A_218] : memref<127x64xf32, #tpu.memory_space<vmem_shared>> -> memref<127x64xf32, #tpu.memory_space<vmem_shared>>
      tpu.wait_indirect_dma semaphore(%arg12 : memref<!tpu.dma_semaphore, #tpu.memory_space<semaphore_mem>>) src(%dma_wait3A_219 : memref<127x64xf32, #tpu.memory_space<vmem_shared>>) dst(%dma_wait3A_214 : memref<128x64xf32, #tpu.memory_space<vmem>>)
      %mul3A_220 = arith.constant 256 : i32
      %mul3A_221 = arith.muli %add3A_203, %mul3A_220 : i32
      %add3A_222 = arith.addi %mul3A_2, %mul3A_221 : i32
      %dma_start3A_223 = arith.constant 768 : i32
      %dma_start3A_224 = arith.constant 0 : i32
      %dma_start3A_225 = tpu.memref_slice %arg8[%dma_start3A_223, %dma_start3A_224] : memref<1024x64xf32, #tpu.memory_space<vmem>> -> memref<256x64xf32, #tpu.memory_space<vmem>>
      %dma_start3A_226 = arith.constant 0 : i32
      %dma_start3A_227 = tpu.memref_slice %arg4[%add3A_222, %dma_start3A_226] : memref<819200x64xf32, #tpu.memory_space<hbm>> -> memref<256x64xf32, #tpu.memory_space<hbm>>
      %dma_start3A_228 = arith.constant 0 : i32
      %dma_start3A_229 = tpu.memref_slice %arg4[%add3A_222, %dma_start3A_228] : memref<819200x64xf32, #tpu.memory_space<hbm>> -> memref<256x64xf32, #tpu.memory_space<hbm>>
      %dma_start3A_230 = arith.constant 768 : i32
      %dma_start3A_231 = arith.constant 0 : i32
      %dma_start3A_232 = tpu.memref_slice %arg8[%dma_start3A_230, %dma_start3A_231] : memref<1024x64xf32, #tpu.memory_space<vmem>> -> memref<256x64xf32, #tpu.memory_space<vmem>>
      tpu.enqueue_dma source(%dma_start3A_232 : memref<256x64xf32, #tpu.memory_space<vmem>>) target(%dma_start3A_229 : memref<256x64xf32, #tpu.memory_space<hbm>>) target_semaphore(%arg13 : memref<!tpu.dma_semaphore, #tpu.memory_space<semaphore_mem>>)
      %ge3A_233 = arith.constant 2 : i32
      %ge3A_234 = arith.cmpi sge, %add3A_203, %ge3A_233 : i32
      %convert_element_type3A_235 = arith.extui %ge3A_234 : i1 to i32
      %cond3A_236 = arith.constant 0 : i32
      %cond3A_237 = arith.cmpi ne, %convert_element_type3A_235, %cond3A_236 : i32
      scf.if %cond3A_237 {
        %dma_wait3A_245 = arith.constant 768 : i32
        %dma_wait3A_246 = arith.constant 0 : i32
        %dma_wait3A_247 = tpu.memref_slice %arg8[%dma_wait3A_245, %dma_wait3A_246] : memref<1024x64xf32, #tpu.memory_space<vmem>> -> memref<256x64xf32, #tpu.memory_space<vmem>>
        %dma_wait3A_248 = arith.constant 0 : i32
        %dma_wait3A_249 = tpu.memref_slice %arg4[%mul3A_2, %dma_wait3A_248] : memref<819200x64xf32, #tpu.memory_space<hbm>> -> memref<256x64xf32, #tpu.memory_space<hbm>>
        %dma_wait3A_250 = arith.constant 0 : i32
        %dma_wait3A_251 = tpu.memref_slice %arg4[%mul3A_2, %dma_wait3A_250] : memref<819200x64xf32, #tpu.memory_space<hbm>> -> memref<256x64xf32, #tpu.memory_space<hbm>>
        %dma_wait3A_252 = arith.constant 768 : i32
        %dma_wait3A_253 = arith.constant 0 : i32
        %dma_wait3A_254 = tpu.memref_slice %arg8[%dma_wait3A_252, %dma_wait3A_253] : memref<1024x64xf32, #tpu.memory_space<vmem>> -> memref<256x64xf32, #tpu.memory_space<vmem>>
        tpu.wait_dma2 semaphore(%arg13 : memref<!tpu.dma_semaphore, #tpu.memory_space<semaphore_mem>>) src(%dma_wait3A_254 : memref<256x64xf32, #tpu.memory_space<vmem>>) dst(%dma_wait3A_251 : memref<256x64xf32, #tpu.memory_space<hbm>>)
      } else {
      }
      %add3A_238 = arith.constant 2 : i32
      %add3A_239 = arith.addi %add3A_203, %add3A_238 : i32
      %lt3A_240 = arith.constant 100 : i32
      %lt3A_241 = arith.cmpi slt, %add3A_239, %lt3A_240 : i32
      %convert_element_type3A_242 = arith.extui %lt3A_241 : i1 to i32
      %cond3A_243 = arith.constant 0 : i32
      %cond3A_244 = arith.cmpi ne, %convert_element_type3A_242, %cond3A_243 : i32
      scf.if %cond3A_244 {
        %add3A_245 = arith.constant 2 : i32
        %add3A_246 = arith.addi %add3A_203, %add3A_245 : i32
        %mul3A_247 = arith.constant 256 : i32
        %mul3A_248 = arith.muli %add3A_246, %mul3A_247 : i32
        %add3A_249 = arith.constant 0 : i32
        %add3A_250 = arith.addi %mul3A_248, %add3A_249 : i32
        %dma_start3A_251 = arith.constant 256 : i32
        %dma_start3A_252 = arith.constant 0 : i32
        %dma_start3A_253 = tpu.memref_slice %arg8[%dma_start3A_251, %dma_start3A_252] : memref<1024x64xf32, #tpu.memory_space<vmem>> -> memref<128x64xf32, #tpu.memory_space<vmem>>
        %dma_start3A_254 = tpu.memref_slice %arg7[%add3A_250] : memref<25600xi32, #tpu.memory_space<vmem>> -> memref<128xi32, #tpu.memory_space<vmem>>
        %dma_start3A_255 = arith.constant 0 : i32
        %dma_start3A_256 = arith.constant 0 : i32
        %dma_start3A_257 = tpu.memref_slice %arg5[%dma_start3A_255, %dma_start3A_256] : memref<127x64xf32, #tpu.memory_space<vmem_shared>> -> memref<127x64xf32, #tpu.memory_space<vmem_shared>>
        tpu.enqueue_indirect_dma source(%dma_start3A_257 : memref<127x64xf32, #tpu.memory_space<vmem_shared>>) target(%dma_start3A_253 : memref<128x64xf32, #tpu.memory_space<vmem>>) offsets(%dma_start3A_254 : memref<128xi32, #tpu.memory_space<vmem>>) semaphore(%arg10 : memref<!tpu.dma_semaphore, #tpu.memory_space<semaphore_mem>>)
        %mul3A_258 = arith.constant 256 : i32
        %mul3A_259 = arith.muli %add3A_246, %mul3A_258 : i32
        %add3A_260 = arith.constant 128 : i32
        %add3A_261 = arith.addi %mul3A_259, %add3A_260 : i32
        %dma_start3A_262 = arith.constant 384 : i32
        %dma_start3A_263 = arith.constant 0 : i32
        %dma_start3A_264 = tpu.memref_slice %arg8[%dma_start3A_262, %dma_start3A_263] : memref<1024x64xf32, #tpu.memory_space<vmem>> -> memref<128x64xf32, #tpu.memory_space<vmem>>
        %dma_start3A_265 = tpu.memref_slice %arg7[%add3A_261] : memref<25600xi32, #tpu.memory_space<vmem>> -> memref<128xi32, #tpu.memory_space<vmem>>
        %dma_start3A_266 = arith.constant 0 : i32
        %dma_start3A_267 = arith.constant 0 : i32
        %dma_start3A_268 = tpu.memref_slice %arg5[%dma_start3A_266, %dma_start3A_267] : memref<127x64xf32, #tpu.memory_space<vmem_shared>> -> memref<127x64xf32, #tpu.memory_space<vmem_shared>>
        tpu.enqueue_indirect_dma source(%dma_start3A_268 : memref<127x64xf32, #tpu.memory_space<vmem_shared>>) target(%dma_start3A_264 : memref<128x64xf32, #tpu.memory_space<vmem>>) offsets(%dma_start3A_265 : memref<128xi32, #tpu.memory_space<vmem>>) semaphore(%arg10 : memref<!tpu.dma_semaphore, #tpu.memory_space<semaphore_mem>>)
      } else {
      }
    }
    %scan3A_46 = arith.constant 25 : i32
    %dma_wait3A = arith.constant 0 : i32
    %dma_wait3A_47 = arith.constant 0 : i32
    %dma_wait3A_48 = tpu.memref_slice %arg8[%dma_wait3A, %dma_wait3A_47] : memref<1024x64xf32, #tpu.memory_space<vmem>> -> memref<256x64xf32, #tpu.memory_space<vmem>>
    %dma_wait3A_49 = arith.constant 0 : i32
    %dma_wait3A_50 = tpu.memref_slice %arg4[%mul3A_2, %dma_wait3A_49] : memref<819200x64xf32, #tpu.memory_space<hbm>> -> memref<256x64xf32, #tpu.memory_space<hbm>>
    %dma_wait3A_51 = arith.constant 0 : i32
    %dma_wait3A_52 = tpu.memref_slice %arg4[%mul3A_2, %dma_wait3A_51] : memref<819200x64xf32, #tpu.memory_space<hbm>> -> memref<256x64xf32, #tpu.memory_space<hbm>>
    %dma_wait3A_53 = arith.constant 0 : i32
    %dma_wait3A_54 = arith.constant 0 : i32
    %dma_wait3A_55 = tpu.memref_slice %arg8[%dma_wait3A_53, %dma_wait3A_54] : memref<1024x64xf32, #tpu.memory_space<vmem>> -> memref<256x64xf32, #tpu.memory_space<vmem>>
    tpu.wait_dma2 semaphore(%arg13 : memref<!tpu.dma_semaphore, #tpu.memory_space<semaphore_mem>>) src(%dma_wait3A_55 : memref<256x64xf32, #tpu.memory_space<vmem>>) dst(%dma_wait3A_52 : memref<256x64xf32, #tpu.memory_space<hbm>>)
    %dma_wait3A_56 = arith.constant 0 : i32
    %dma_wait3A_57 = arith.constant 0 : i32
    %dma_wait3A_58 = tpu.memref_slice %arg8[%dma_wait3A_56, %dma_wait3A_57] : memref<1024x64xf32, #tpu.memory_space<vmem>> -> memref<256x64xf32, #tpu.memory_space<vmem>>
    %dma_wait3A_59 = arith.constant 0 : i32
    %dma_wait3A_60 = tpu.memref_slice %arg4[%mul3A_2, %dma_wait3A_59] : memref<819200x64xf32, #tpu.memory_space<hbm>> -> memref<256x64xf32, #tpu.memory_space<hbm>>
    %dma_wait3A_61 = arith.constant 0 : i32
    %dma_wait3A_62 = tpu.memref_slice %arg4[%mul3A_2, %dma_wait3A_61] : memref<819200x64xf32, #tpu.memory_space<hbm>> -> memref<256x64xf32, #tpu.memory_space<hbm>>
    %dma_wait3A_63 = arith.constant 0 : i32
    %dma_wait3A_64 = arith.constant 0 : i32
    %dma_wait3A_65 = tpu.memref_slice %arg8[%dma_wait3A_63, %dma_wait3A_64] : memref<1024x64xf32, #tpu.memory_space<vmem>> -> memref<256x64xf32, #tpu.memory_space<vmem>>
    tpu.wait_dma2 semaphore(%arg13 : memref<!tpu.dma_semaphore, #tpu.memory_space<semaphore_mem>>) src(%dma_wait3A_65 : memref<256x64xf32, #tpu.memory_space<vmem>>) dst(%dma_wait3A_62 : memref<256x64xf32, #tpu.memory_space<hbm>>)
    return
  }
}

</mosaic_0001>

<sc_bundles>
// kernel: _emb_lookup.3.cloned.1.call-start
scs
__scs_entry_jumppad:
0x0: {  	(pc) =	sbr.rel $0x88, $3  }
0x1: {  	(tag) =	ssettag $0x0;
	lr =	simm.s32 $0x1  }
0x2: {  	[smem:$0x3F9F] =	sst lr;
	_ =	strace $0xD0000000  }
0x3: {  	_ = 	snop  }
0x4: {  	_ = 	snop  }
0x5: {  	_ = 	snop  }
0x6: {  	_ = 	snop  }
0x7: {  	_ = 	snop  }
__scs_overlays_trampoline_lowered:
0x8: {  	[smem:$0x3FAE] =	sst s0  }
0x9: {  	[smem:$0x3FAF] =	sst s1  }
0xa: {  	[smem:$0x3FB0] =	sst s2  }
0xb: {  	[smem:$0x3FB1] =	sst s3  }
0xc: {  	[smem:$0x3FB2] =	sst s4  }
0xd: {  	[smem:$0x3FB3] =	sst s5  }
0xe: {  	[smem:$0x3FB4] =	sst s6  }
0xf: {  	[smem:$0x3FB5] =	sst s7  }
0x10: {  	[smem:$0x3FB6] =	sst s8  }
0x11: {  	[smem:$0x3FB7] =	sst s9;
	s0 =	simm.s32 @!p0 $0x0  }
0x12: {  	s1 =	sld [smem:$0x3F9D];
	s0 =	simm.s32 @p0 $0x1  }
0x13: {  	[smem:$0x3FB8] =	sst s0;
	s0 =	simm.s32 @!p1 $0x0  }
0x14: {  	s2 =	sld [smem:$0x3F9C];
	s0 =	simm.s32 @p1 $0x1  }
0x15: {  	[smem:$0x3FB9] =	sst s0;
	s0 =	simm.s32 @!p2 $0x0  }
0x16: {  	s3 =	sld [smem:$0x3FDB];
	s0 =	simm.s32 @p2 $0x1  }
0x17: {  	s4 =	simm.s32 $0x1BF5;
	[smem:$0x3FBB] =	sst s0  }
0x18: {  	s0 =	sld [smem:$0x3F9E];
	_ =	swait.ge [sflag:s4], $0x0  }
0x19: {  	s7 =	sld [smem:$0x3F9F]  }
0x1a: {  	s8 =	sadd.s32 $0xFFFFE003, lr  }
0x1b: {  	s9 =	sadd.s32 $0xFFFFFEF7, lr;
	s5 =	simm.s32 $0xFFFFFFFF;
	p2 =	slt.u32 s8, $0xFFFFF086  }
0x1c: {  	p1 =	slt.u32 s9, $0xF7A;
	s5 =	simm.s32 @!p2 $0x0  }
0x1d: {  	s5 =	simm.s32 @p1 $0x1;
	p0 =	seq.s32 s7, s2  }
0x1e: {  	s7 =	smul.u32 @!p0 $0xF7A, s2;
	p2 =	seq.s32 @!p0 s5, $0x0  }
0x1f: {  	s9 =	smul.u32 $0xF7A, s1;
	s8 =	simm.s32 @!p0 $0x1BF5;
	p2 =	por !p2, p0  }
0x20: {  	[sflag:s8] =	ssyncset.s32 @!p0 $0xFFFFF086;
	s6 =	sadd.s32 @!p0 s3, s7;
	s7 =	simm.s32 @!p0 $0x108  }
0x21: {  	s3 =	sadd.s32 s3, s9;
	s6 =	sadd.s32 @!p0 $0x88, s6;
	s7 =	simm.s32 @p2 $0x1082  }
0x22: {  	[simem:s7], [sflag:s8] =	dma.local @!p0 [hbm:s6], $0xF7A  }
0x23: {  	s9 =	sor.u32 $0xD0000000, s2;
	s6 =	simm.s32 $0x108;
	_ =	swait.ge @!p0 [sflag:s8], $0x0  }
0x24: {  	s3 =	sadd.s32 $0x88, s3;
	s6 =	simm.s32 @!p1 $0x1082;
	[sflag:s4] =	ssyncset.s32 $0xFFFFF086  }
0x25: {  	[simem:s6], [sflag:s4] =	dma.local [hbm:s3], $0xF7A  }
0x26: {  	[smem:$0x3F9F] =	sst s1;
	(tag) =	ssettag s2;
	_ =	strace s9  }
0x27: {  	s1 =	sld [smem:$0x3FAF]  }
0x28: {  	s2 =	sld [smem:$0x3FB0]  }
0x29: {  	s4 =	sld [smem:$0x3FB2]  }
0x2a: {  	p0 =	seq.s32 s5, $0x0;
	s5 =	sld [smem:$0x3FB3]  }
0x2b: {  	s6 =	sld [smem:$0x3FB4]  }
0x2c: {  	s7 =	sld [smem:$0x3FB5]  }
0x2d: {  	s3 =	simm.s32 $0x108;
	s8 =	sld [smem:$0x3FB6]  }
0x2e: {  	s3 =	simm.s32 @!p0 $0x1082;
	s9 =	sld [smem:$0x3FB7]  }
0x2f: {  	lr =	sadd.s32 s0, s3;
	s0 =	sld [smem:$0x3FAE]  }
0x30: {  	s3 =	sld [smem:$0x3FB1]  }
0x31: {  	[smem:$0x3FBA] =	sst s10  }
0x32: {  	s10 =	sld [smem:$0x3FB8];
	_ =	sdelay $0x3  }
0x33: {  	p0 =	seq.s32 s10, $0x1;
	s10 =	sld [smem:$0x3FBA];
	_ =	sdelay $0x3  }
0x34: {  	[smem:$0x3FBA] =	sst s10  }
0x35: {  	s10 =	sld [smem:$0x3FB9];
	_ =	sdelay $0x3  }
0x36: {  	p1 =	seq.s32 s10, $0x1;
	s10 =	sld [smem:$0x3FBA];
	_ =	sdelay $0x3  }
0x37: {  	[smem:$0x3FBA] =	sst s10  }
0x38: {  	s10 =	sld [smem:$0x3FBB]  }
0x39: {  	_ = 	snop;
	(pc) =	sbr.ind lr, $3  }
0x3a: {  	_ = 	snop  }
0x3b: {  	_ = 	snop  }
0x3c: {  	p2 =	seq.s32 s10, $0x1;
	s10 =	sld [smem:$0x3FBA]  }
0x3d: {  	_ =	shalt  }
0x3e: {  	_ =	shalt  }
0x3f: {  	_ =	shalt  }
0x40: {  	_ =	shalt  }
0x41: {  	_ =	shalt  }
0x42: {  	_ =	shalt  }
0x43: {  	_ =	shalt  }
0x44: {  	_ =	shalt  }
0x45: {  	_ =	shalt  }
0x46: {  	_ =	shalt  }
0x47: {  	_ =	shalt  }
0x48: {  	_ =	shalt  }
0x49: {  	_ =	shalt  }
0x4a: {  	_ =	shalt  }
0x4b: {  	_ =	shalt  }
0x4c: {  	_ =	shalt  }
0x4d: {  	_ =	shalt  }
0x4e: {  	_ =	shalt  }
0x4f: {  	_ =	shalt  }
0x50: {  	_ =	shalt  }
0x51: {  	_ =	shalt  }
0x52: {  	_ =	shalt  }
0x53: {  	_ =	shalt  }
0x54: {  	_ =	shalt  }
0x55: {  	_ =	shalt  }
0x56: {  	_ =	shalt  }
0x57: {  	_ =	shalt  }
0x58: {  	_ =	shalt  }
0x59: {  	_ =	shalt  }
0x5a: {  	_ =	shalt  }
0x5b: {  	_ =	shalt  }
0x5c: {  	_ =	shalt  }
0x5d: {  	_ =	shalt  }
0x5e: {  	_ =	shalt  }
0x5f: {  	_ =	shalt  }
0x60: {  	_ =	shalt  }
0x61: {  	_ =	shalt  }
0x62: {  	_ =	shalt  }
0x63: {  	_ =	shalt  }
0x64: {  	_ =	shalt  }
0x65: {  	_ =	shalt  }
0x66: {  	_ =	shalt  }
0x67: {  	_ =	shalt  }
0x68: {  	_ =	shalt  }
0x69: {  	_ =	shalt  }
0x6a: {  	_ =	shalt  }
0x6b: {  	_ =	shalt  }
0x6c: {  	_ =	shalt  }
0x6d: {  	_ =	shalt  }
0x6e: {  	_ =	shalt  }
0x6f: {  	_ =	shalt  }
0x70: {  	_ =	shalt  }
0x71: {  	_ =	shalt  }
0x72: {  	_ =	shalt  }
0x73: {  	_ =	shalt  }
0x74: {  	_ =	shalt  }
0x75: {  	_ =	shalt  }
0x76: {  	_ =	shalt  }
0x77: {  	_ =	shalt  }
0x78: {  	_ =	shalt  }
0x79: {  	_ =	shalt  }
0x7a: {  	_ =	shalt  }
0x7b: {  	_ =	shalt  }
0x7c: {  	_ =	shalt  }
0x7d: {  	_ =	shalt  }
0x7e: {  	_ =	shalt  }
0x7f: {  	_ =	shalt  }
0x80: {  	_ =	shalt  }
0x81: {  	_ =	shalt  }
0x82: {  	_ =	shalt  }
0x83: {  	_ =	shalt  }
0x84: {  	_ =	shalt  }
0x85: {  	_ =	shalt  }
0x86: {  	_ =	shalt  }
0x87: {  	_ =	shalt  }
.Lfunc_end0:
.L_simem_size_0:
called_computation.1_lowered:
.L_overlay_start_0:
0x88: {  	s2 =	sld [smem:$0x3FD9]  }
0x89: {  	s3 =	sld [smem:$0x3FFE];
	_ =	sdelay $0x1  }
0x8a: {  	s1 =	srdreg.scid  }
0x8b: {  	s0 =	sand.u32 $0x1, s1  }
0x8c: {  	s17 =	sshll.u32 s0, $0xA;
	s2 =	sadd.s32 s3, s2  }
0x8d: {  	s2 =	sadd.s32 s2, s17  }
0x8e: {  	[smem:$0x3FC6] =	sst s2  }
0x8f: {  	_ = 	snop  }
0x90: {  	s2 =	sld [smem:$0x3FC9]  }
0x91: {  	s18 =	sld [smem:$0x3FD0];
	(tm) =	ssettm $0x1  }
0x92: {  	s4 =	sld [smem:$0x3FFB];
	_ =	sdelay $0x3  }
0x93: {  	_ =	strace s4  }
0x94: {  	s4 =	sld [smem:$0x3FFC];
	_ =	sdelay $0x3  }
0x95: {  	_ =	strace s4  }
0x96: {  	s4 =	sld [smem:$0x3FFD];
	_ =	sdelay $0x3  }
0x97: {  	_ =	strace s4  }
0x98: {  	_ =	strace $0x8FFFFFFF  }
0x99: {  	s19 =	sld [smem:$0x3FDB];
	_ =	sdelay $0x1  }
0x9a: {  	s5 =	simm.s32 $_scs_section_size  }
0x9b: {  	s6 =	simm.s32 $_size__tile_overlayer_lowered;
	s7 =	simm.s32 $_tile_overlayer_lowered  }
0x9c: {  	s22 =	simm.s32 $0x1BFF;
	s21 =	sshll.u32 s7, $0x1;
	s4 =	sadd.s32 s5, s19  }
0x9d: {  	s8 =	simm.s32 $0x0;
	s20 =	sshll.u32 s6, $0x1;
	s6 =	sadd.s32 s21, s4  }
0x9e: {  	[timem:s8], [sflag:s22] =	dma.local [hbm:s6], s20  }
0x9f: {  	_ =	swait.ge [sflag:s22], s20  }
0xa0: {  	s5 =	ssub.s32 $0x0, s20;
	[sflag:s22] =	ssyncset.done $0x0  }
0xa1: {  	[sflag:s22] =	ssyncadd.s32 s5;
	_ =	sdelay $0x1  }
0xa2: {  	s23 =	simm.s32 $0x1B8B  }
0xa3: {  	_ =	swait.ge [sflag:s23], $0x1  }
0xa4: {  	[sflag:s23] =	ssyncset.done $0x0  }
0xa5: {  	s25 =	simm.s32 $0x1B8E;
	s24 =	sld [smem:$0x3FFE];
	[sflag:s23] =	ssyncadd.s32 $0xFFFFFFFF  }
0xa6: {  	s26 =	simm.s32 $execute0_lowered;
	[smem:$0x3FD2] =	sst s25  }
0xa7: {  	s6 =	sshll.u32 s26, $0x1;
	_ =	strace $0x80000046;
	[dreg:$0x1] =	wrdreg $0xFFFFFFFF  }
0xa8: {  	s28 =	simm.s32 $_size_execute0_lowered;
	s4 =	sadd.s32 s4, s6;
	[dreg:$0x0] =	wrdreg $0x0  }
0xa9: {  	s6 =	sshll.u32 s28, $0x1;
	[dreg:$0x2] =	wrdreg s4  }
0xaa: {  	[dreg:$0x3] =	wrdreg s6  }
0xab: {  	[dreg:$0x4] =	wrdreg $0xC0  }
0xac: {  	_ =	task [dreg:s8], $0x5FFFF  }
0xad: {  	[dreg:$0x1] =	wrdreg $0xFFFFFFFF  }
0xae: {  	[dreg:$0x0] =	wrdreg $0x60  }
0xaf: {  	[dreg:$0x2] =	wrdreg s2  }
0xb0: {  	[dreg:$0x3] =	wrdreg s24  }
0xb1: {  	[dreg:$0x4] =	wrdreg s18  }
0xb2: {  	[dreg:$0x5] =	wrdreg $0x0  }
0xb3: {  	[dreg:$0x6] =	wrdreg $0x9  }
0xb4: {  	_ =	task.clear_ibuf [dreg:s8], $0x7FFFF;
	_ =	strace $0x90000046  }
0xb5: {  	s29 =	simm.s32 $0x9;
	_ =	strace $0x80000048  }
0xb6: {  	_ =	swait.ge [sflag:s29], $0x1  }
0xb7: {  	[sflag:s29] =	ssyncadd.s32 $0xFFFFFFFF  }
0xb8: {  	_ =	strace $0x90000048  }
0xb9: {  	_ =	sfence  }
0xba: {  	s30 =	sld [smem:$0x0];
	_ =	sdelay $0x2  }
0xbb: {  	s31 =	sshll.u32 s1, $0xD;
	s1 =	sshrl.u32 s1, $0x2  }
0xbc: {  	s3 =	sand.u32 $0x4000, s31;
	s1 =	sadd.s32 s1, s30  }
0xbd: {  	s0 =	sor.u32 s3, s0;
	s1 =	sshll.u32 s1, $0x11  }
0xbe: {  	s0 =	sor.u32 s1, s0  }
0xbf: {  	s0 =	sadd.s32 $0x8F2B, s0  }
0xc0: {  	[sflag:s0] =	ssyncadd.remote.s32 $0x1  }
0xc1: {  	_ =	sfence.sel $0xFFFF  }
0xc2: {  	[dreg:$0x0] =	wrdreg $0xFFFFFFFF;
	(pc) =	sbr.abs _section_cstart, $3  }
0xc3: {  	[dreg:$0x1] =	wrdreg $0xFFFFFFFF  }
0xc4: {  	_ =	task.clear_ibuf [dreg:s8], $0x2FFFF;
	_ =	strace $0x9FFFFFFF  }
0xc5: {  	(tm) =	ssettm $0x7FFFFFFF  }
tec
execute0_lowered:
.L_overlay_start_1:
0x0: {  	(tag) =	ssettag $0x1  }
0x1: {  	s0 =	rddreg [dreg:$0x0]  }
0x2: {  	s3 =	rddreg [dreg:$0x1]  }
0x3: {  	s6 =	rddreg [dreg:$0x2]  }
0x4: {  	s1 =	rddreg [dreg:$0x3]  }
0x5: {  	s4 =	srdreg.scid;
	s7 =	stileid.u32;
	s2 =	simm.s32 $0x0  }
0x6: {  	s12 =	simm.s32 $0x6;
	s13 =	simm.s32 $0x80;
	s15 =	simm.s32 $0xCA00  }
0x7: {  	s19 =	simm.s32 $0x10A00;
	s28 =	simm.s32 $0x1AA00;
	s29 =	simm.s32 $0x3  }
0x8: {  	s30 =	simm.s32 $0x5;
	s31 =	simm.s32 $0x4;
	s4 =	sand.u32 $0x1, s4  }
0x9: {  	s5 =	smul.u32 $0x320000, s7;
	[smem:$0x7FF] =	sst s2;
	s8 =	sshll.u32 s7, $0x1  }
0xa: {  	s3 =	sadd.s32 $0x800, s3;
	p0 =	sne.s32 s7, $0x0;
	s9 =	smul.u32 $0x190000, s4  }
0xb: {  	_ =	strace $0x80000047;
	s8 =	sor.u32 s4, s8;
	s4 =	ssub.s32 $0x2, s4  }
0xc: {  	[dreg:$0x5] =	wrdreg s3;
	s8 =	smul.u32 $0xC80, s8;
	s21 =	sshrl.u32 s4, $0x1  }
0xd: {  	s9 =	sadd.s32 s9, s5;
	s5 =	ssub.s32 s4, s21;
	s21 =	simm.s32 $0x12A00  }
0xe: {  	s10 =	sor.u32 $0x4000, s9;
	s0 =	sadd.s32 s0, s8;
	s23 =	smax.u32 s5, $0x1  }
0xf: {  	s24 =	sshrl.u32 s9, $0x3;
	s25 =	sor.u32 $0xC000, s9;
	[dreg:$0x6] =	wrdreg s0  }
0x10: {  	s26 =	sor.u32 $0x8000, s9;
	s22 =	sshrl.u32 s10, $0x3;
	[dreg:$0x7] =	wrdreg s23  }
.Ltmp0:
0x11: {  	s17 =	sadd.s32 s24, s6;
	s8 =	sshrl.u32 s26, $0x3;
	(pc) =	sbr.rel .LBB2_1-.Ltmp0, $4  }
0x12: {  	s10 =	sshrl.u32 @!p0 s1, $0x3;
	s23 =	simm.s32 $0x14A00;
	s24 =	simm.s32 $0x16A00  }
0x13: {  	s26 =	simm.s32 $0x18A00;
	s0 =	sadd.s32 s22, s6;
	s9 =	sadd.s32 s8, s6  }
0x14: {  	s22 =	simm.s32 $0x1;
	[dreg:$0x8] =	wrdreg s0;
	s0 =	sshrl.u32 s25, $0x3  }
0x15: {  	s25 =	simm.s32 $0x2;
	s16 =	sadd.s32 s0, s6;
	s0 =	simm.s32 $0x0  }
.LBB2_6:
0x16: {  	_ =	swait.ge [sflag:s30], $0x4000  }
0x17: {  	[sflag:s30] =	ssyncset.done $0x0  }
0x18: {  	[sflag:s30] =	ssyncadd.s32 $0xFFFFC000  }
0x19: {  	_ =	swait.ge [sflag:s30], $0x4000  }
0x1a: {  	s0 =	sadd.s32 $0x1, s0;
	s3 =	rddreg [dreg:$0x7]  }
0x1b: {  	p1 =	sne.s32 s0, s3  }
.Ltmp1:
0x1c: {  	_ = 	snop;
	(pc) =	sbr.rel @!p1 .LBB2_7-.Ltmp1, $3  }
0x1d: {  	_ =	sdelay $0x1  }
0x1e: {  	[sflag:s30] =	ssyncset.done $0x0  }
0x1f: {  	[sflag:s30] =	ssyncadd.s32 $0xFFFFC000  }
.LBB2_1:
0x20: {  	s6 =	simm.s32 @!p0 $0x1C06;
	s3 =	rddreg [dreg:$0x5]  }
0x21: {  	[spmem:s10], [sflag:s6] =	dma.local @!p0 [hbm:s3], $0x3F8  }
0x22: {  	s6 =	simm.s32 @!p0 $0x6  }
0x23: {  	_ =	swait.ge @!p0 [sflag:s6], $0x3F8  }
0x24: {  	[sflag:s6] =	ssyncset.done @!p0 $0x0  }
0x25: {  	s4 =	simm.s32 $0x200;
	s20 =	rddreg [dreg:$0x6];
	[sflag:s6] =	ssyncadd.s32 @!p0 $0xFFFFFC08  }
0x26: {  	[tilespmem:s4], [sflag:$0x6] =	stream.linear.gather [hbm4b:s20+s2], $0x6400, $0x38;
	[tilespmem:$0x1CA00] =	vst v63  }
0x27: {  	_ =	swait.ge [sflag:s12], $0x6400  }
0x28: {  	[sflag:s12] =	ssyncset.done $0x0  }
0x29: {  	[sflag:s12] =	ssyncadd.s32 $0xFFFF9C00  }
0x2a: {  	s11 =	simm.s32 $0x0;
	[bflag:$0x0] =	sbarrier.arrive $0xFFFF  }
0x2b: {  	v0 =	vld [tilespmem:s11+$0x270]  }
0x2c: {  	v1 =	vld [tilespmem:s11+$0x200]  }
0x2d: {  	v2 =	vld [tilespmem:s11+$0x210]  }
0x2e: {  	v3 =	vld [tilespmem:s11+$0x220]  }
0x2f: {  	v4 =	vld [tilespmem:s11+$0x230]  }
0x30: {  	v6 =	vld [tilespmem:s11+$0x240]  }
0x31: {  	v7 =	vld [tilespmem:s11+$0x250]  }
0x32: {  	v0 =	vmul.f32 $1.270000000e+02, v0;
	v1 =	vmul.f32 $1.270000000e+02, v1  }
0x33: {  	v8 =	vmul.f32 $1.270000000e+02, v2;
	v3 =	vmul.f32 $1.270000000e+02, v3;
	v2 =	vld [tilespmem:s11+$0x260]  }
0x34: {  	v5 =	vmul.f32 $1.270000000e+02, v4;
	v0 =	vtrunc.f32 v0  }
0x35: {  	v4 =	vmul.f32 $1.270000000e+02, v6;
	v9 =	vcvt.f32.s32 v0  }
0x36: {  	v6 =	vmul.f32 $1.270000000e+02, v7;
	v1 =	vtrunc.f32 v1  }
0x37: {  	s14 =	simm.s32 $0x80;
	s6 =	simm.s32 $0x400;
	v3 =	vtrunc.f32 v3;
	v0 =	vtrunc.f32 v8;
	[tilespmem:s11+$0x6670] =	vst v9  }
.LBB2_2:
0x38: {  	p1 =	sne.s32 s6, $0x18E00;
	v7 =	vld [tilespmem:s14+$0x270];
	v5 =	vtrunc.f32 v5;
	v2 =	vmul.f32 $1.270000000e+02, v2  }
0x39: {  	v4 =	vtrunc.f32 v4;
	v8 =	vld [tilespmem:s14+$0x200];
	v6 =	vtrunc.f32 v6  }
0x3a: {  	v1 =	vcvt.f32.s32 v1;
	v9 =	vld [tilespmem:s14+$0x210];
	v2 =	vtrunc.f32 v2  }
0x3b: {  	v0 =	vcvt.f32.s32 v0;
	v3 =	vcvt.f32.s32 v3;
	v10 =	vld [tilespmem:s14+$0x220]  }
0x3c: {  	v4 =	vcvt.f32.s32 v4;
	v11 =	vld [tilespmem:s14+$0x230];
	[tilespmem:s11+$0x6600] =	vst v1;
	v1 =	vcvt.f32.s32 v5  }
0x3d: {  	v12 =	vld [tilespmem:s14+$0x240];
	v5 =	vmul.f32 $1.270000000e+02, v7;
	[tilespmem:s11+$0x6610] =	vst v0;
	v0 =	vcvt.f32.s32 v6  }
0x3e: {  	v6 =	vmul.f32 $1.270000000e+02, v8;
	v7 =	vld [tilespmem:s14+$0x250];
	[tilespmem:s11+$0x6620] =	vst v3;
	v8 =	vcvt.f32.s32 v2  }
.Ltmp2:
0x3f: {  	v3 =	vmul.f32 $1.270000000e+02, v9;
	v2 =	vld [tilespmem:s14+$0x260];
	v5 =	vtrunc.f32 v5;
	[tilespmem:s11+$0x6630] =	vst v1;
	(pc) =	sbr.rel @p1 .LBB2_2-.Ltmp2, $4  }
0x40: {  	v9 =	vmul.f32 $1.270000000e+02, v10;
	v10 =	vcvt.f32.s32 v5;
	[tilespmem:s11+$0x6640] =	vst v4  }
0x41: {  	v1 =	vtrunc.f32 v6;
	v5 =	vmul.f32 $1.270000000e+02, v11;
	[tilespmem:s11+$0x6650] =	vst v0  }
0x42: {  	v0 =	vtrunc.f32 v3;
	v4 =	vmul.f32 $1.270000000e+02, v12;
	[tilespmem:s14+$0x6670] =	vst v10  }
0x43: {  	v3 =	vtrunc.f32 v9;
	v6 =	vmul.f32 $1.270000000e+02, v7;
	[tilespmem:s11+$0x6660] =	vst v8;
	s11 =	smov.u32 s14;
	s14 =	sshra.s32 s6, $0x2;
	s6 =	sadd.s32 $0x200, s6  }
0x44: {  	v7 =	vld [tilespmem:s14+$0x270]  }
0x45: {  	v8 =	vld [tilespmem:s14+$0x200];
	v5 =	vtrunc.f32 v5  }
0x46: {  	v9 =	vld [tilespmem:s14+$0x210];
	v2 =	vmul.f32 $1.270000000e+02, v2;
	v1 =	vcvt.f32.s32 v1  }
0x47: {  	v10 =	vld [tilespmem:s14+$0x220];
	v4 =	vtrunc.f32 v4;
	v0 =	vcvt.f32.s32 v0  }
0x48: {  	v11 =	vld [tilespmem:s14+$0x230];
	v45 =	vcvt.f32.s32 v3;
	v6 =	vtrunc.f32 v6  }
0x49: {  	v46 =	vcvt.f32.s32 v5;
	v4 =	vcvt.f32.s32 v4  }
0x4a: {  	v2 =	vtrunc.f32 v2;
	v48 =	vcvt.f32.s32 v6  }
0x4b: {  	[tilespmem:s11+$0x6600] =	vst v1;
	v51 =	vcvt.f32.s32 v2;
	v7 =	vmul.f32 $1.270000000e+02, v7  }
0x4c: {  	v47 =	vld [tilespmem:s14+$0x240];
	[tilespmem:s11+$0x6610] =	vst v0;
	v49 =	vmul.f32 $1.270000000e+02, v8;
	v52 =	vmul.f32 $1.270000000e+02, v9  }
0x4d: {  	v50 =	vld [tilespmem:s14+$0x250];
	[tilespmem:s11+$0x6620] =	vst v45;
	v10 =	vmul.f32 $1.270000000e+02, v10;
	v55 =	vmul.f32 $1.270000000e+02, v11  }
0x4e: {  	v53 =	vld [tilespmem:s14+$0x260];
	[tilespmem:s11+$0x6630] =	vst v46;
	v7 =	vtrunc.f32 v7;
	v6 =	vtrunc.f32 v49  }
0x4f: {  	[tilespmem:s11+$0x6640] =	vst v4;
	v2 =	vtrunc.f32 v52;
	v54 =	vcvt.f32.s32 v7  }
0x50: {  	[tilespmem:s11+$0x6650] =	vst v48;
	v57 =	vtrunc.f32 v10;
	v59 =	vtrunc.f32 v55  }
0x51: {  	v56 =	vmul.f32 $1.270000000e+02, v47;
	v6 =	vcvt.f32.s32 v6;
	[tilespmem:s14+$0x6670] =	vst v54  }
0x52: {  	v2 =	vcvt.f32.s32 v2;
	v5 =	vcvt.f32.s32 v57;
	[tilespmem:s11+$0x6660] =	vst v51  }
0x53: {  	v1 =	vcvt.f32.s32 v59;
	v58 =	vmul.f32 $1.270000000e+02, v50;
	[tilespmem:s14+$0x6600] =	vst v6  }
0x54: {  	v60 =	vmul.f32 $1.270000000e+02, v53;
	v0 =	vtrunc.f32 v56;
	[tilespmem:s14+$0x6610] =	vst v2  }
0x55: {  	v61 =	vtrunc.f32 v58;
	v0 =	vcvt.f32.s32 v0;
	[tilespmem:s14+$0x6620] =	vst v5  }
0x56: {  	v62 =	vtrunc.f32 v60;
	v2 =	vcvt.f32.s32 v61;
	[tilespmem:s14+$0x6630] =	vst v1  }
0x57: {  	v63 =	vcvt.f32.s32 v62;
	[tilespmem:s14+$0x6640] =	vst v0  }
0x58: {  	[tilespmem:s14+$0x6650] =	vst v2  }
0x59: {  	s3 =	simm.s32 $0x6600;
	[tilespmem:s14+$0x6660] =	vst v63  }
0x5a: {  	[tilespmem:s15], [sflag:$0x1] =	stream.indirect.gather [spmem:s1], $0x40, s3, s13, $0xb8;
	[tilespmem:$0x1CA00] =	vst v63  }
0x5b: {  	s4 =	simm.s32 $0xEA00;
	s18 =	simm.s32 $0x6700;
	s14 =	simm.s32 $0x6680  }
0x5c: {  	[tilespmem:s4], [sflag:$0x1] =	stream.indirect.gather [spmem:s1], $0x40, s14, s13, $0xb8;
	[tilespmem:$0x1CA00] =	vst v63  }
0x5d: {  	s20 =	simm.s32 $0x6780;
	s8 =	smov.u32 s16;
	s7 =	smov.u32 s17  }
0x5e: {  	[tilespmem:s19], [sflag:$0x2] =	stream.indirect.gather [spmem:s1], $0x40, s18, s13, $0xb8;
	[tilespmem:$0x1CA00] =	vst v63  }
0x5f: {  	s6 =	rddreg [dreg:$0x8];
	s11 =	simm.s32 $0x0;
	s14 =	smov.u32 s9  }
0x60: {  	[tilespmem:s21], [sflag:$0x2] =	stream.indirect.gather [spmem:s1], $0x40, s20, s13, $0xb8;
	[tilespmem:$0x1CA00] =	vst v63  }
.LBB2_4:
0x61: {  	_ =	swait.ge [sflag:s22], $0x2000  }
0x62: {  	[sflag:s22] =	ssyncset.done $0x0  }
0x63: {  	[sflag:s22] =	ssyncadd.s32 $0xFFFFE000  }
0x64: {  	_ =	swait.ge [sflag:s22], $0x2000  }
0x65: {  	p1 =	seq.s32 s11, $0x0;
	[sflag:s22] =	ssyncset.done $0x0  }
0x66: {  	s3 =	simm.s32 @!p1 $0x5;
	[sflag:s22] =	ssyncadd.s32 $0xFFFFE000  }
0x67: {  	[hbm4b:s7+s2] =	stream.linear.scatter [tilespmem:s15], [sflag:$0x5], $0x4000, $0x38;
	[tilespmem:$0x1CA00] =	vst v63  }
0x68: {  	_ =	swait.ge @!p1 [sflag:s3], $0x4000  }
0x69: {  	s20 =	sshra.s32 s11, $0x2;
	[sflag:s3] =	ssyncset.done @!p1 $0x0  }
0x6a: {  	s4 =	sadd.s32 $0x6800, s20;
	[sflag:s3] =	ssyncadd.s32 @!p1 $0xFFFFC000  }
0x6b: {  	[tilespmem:s23], [sflag:$0x3] =	stream.indirect.gather [spmem:s1], $0x40, s4, s13, $0xb8;
	[tilespmem:$0x1CA00] =	vst v63  }
0x6c: {  	s18 =	sadd.s32 $0x6880, s20  }
0x6d: {  	[tilespmem:s24], [sflag:$0x3] =	stream.indirect.gather [spmem:s1], $0x40, s18, s13, $0xb8;
	[tilespmem:$0x1CA00] =	vst v63  }
0x6e: {  	_ =	swait.ge [sflag:s25], $0x2000  }
0x6f: {  	[sflag:s25] =	ssyncset.done $0x0  }
0x70: {  	[sflag:s25] =	ssyncadd.s32 $0xFFFFE000  }
0x71: {  	_ =	swait.ge [sflag:s25], $0x2000  }
0x72: {  	[sflag:s25] =	ssyncset.done $0x0  }
0x73: {  	[sflag:s25] =	ssyncadd.s32 $0xFFFFE000  }
0x74: {  	[hbm4b:s6+s2] =	stream.linear.scatter [tilespmem:s19], [sflag:$0x5], $0x4000, $0x38;
	[tilespmem:$0x1CA00] =	vst v63  }
0x75: {  	_ =	swait.ge @!p1 [sflag:s3], $0x4000  }
0x76: {  	[sflag:s3] =	ssyncset.done @!p1 $0x0  }
0x77: {  	s5 =	sadd.s32 $0x6900, s20;
	[sflag:s3] =	ssyncadd.s32 @!p1 $0xFFFFC000  }
0x78: {  	[tilespmem:s26], [sflag:$0x4] =	stream.indirect.gather [spmem:s1], $0x40, s5, s13, $0xb8;
	[tilespmem:$0x1CA00] =	vst v63  }
0x79: {  	s18 =	sadd.s32 $0x6980, s20  }
0x7a: {  	[tilespmem:s28], [sflag:$0x4] =	stream.indirect.gather [spmem:s1], $0x40, s18, s13, $0xb8;
	[tilespmem:$0x1CA00] =	vst v63  }
0x7b: {  	_ =	swait.ge [sflag:s29], $0x2000  }
0x7c: {  	[sflag:s29] =	ssyncset.done $0x0  }
0x7d: {  	[sflag:s29] =	ssyncadd.s32 $0xFFFFE000  }
0x7e: {  	_ =	swait.ge [sflag:s29], $0x2000  }
0x7f: {  	[sflag:s29] =	ssyncset.done $0x0  }
0x80: {  	[sflag:s29] =	ssyncadd.s32 $0xFFFFE000  }
0x81: {  	[hbm4b:s14+s2] =	stream.linear.scatter [tilespmem:s23], [sflag:$0x5], $0x4000, $0x38;
	[tilespmem:$0x1CA00] =	vst v63  }
0x82: {  	p1 =	seq.s32 s11, $0x18000;
	_ =	swait.ge [sflag:s30], $0x4000  }
0x83: {  	s3 =	sshra.s32 @!p1 s11, $0x2;
	s5 =	simm.s32 @!p1 $0x80;
	[sflag:s30] =	ssyncset.done $0x0  }
0x84: {  	s4 =	sadd.s32 @!p1 $0x6A00, s3;
	s18 =	simm.s32 @!p1 $0xCA00;
	[sflag:s30] =	ssyncadd.s32 $0xFFFFC000  }
0x85: {  	[tilespmem:s18], [sflag:$0x1] =	stream.indirect.gather @!p1 [spmem:s1], $0x40, s4, s5, $0xb8;
	[tilespmem:$0x1CA00] =	vst v63  }
0x86: {  	s3 =	sadd.s32 @!p1 $0x6A80, s3;
	s4 =	simm.s32 @!p1 $0xEA00  }
0x87: {  	[tilespmem:s4], [sflag:$0x1] =	stream.indirect.gather @!p1 [spmem:s1], $0x40, s3, s5, $0xb8;
	[tilespmem:$0x1CA00] =	vst v63  }
0x88: {  	_ =	swait.ge [sflag:s31], $0x2000  }
0x89: {  	[sflag:s31] =	ssyncset.done $0x0  }
0x8a: {  	[sflag:s31] =	ssyncadd.s32 $0xFFFFE000  }
0x8b: {  	_ =	swait.ge [sflag:s31], $0x2000  }
0x8c: {  	[sflag:s31] =	ssyncset.done $0x0  }
.Ltmp3:
0x8d: {  	[sflag:s31] =	ssyncadd.s32 $0xFFFFE000;
	(pc) =	sbr.rel @p1 .LBB2_6-.Ltmp3, $4  }
0x8e: {  	[hbm4b:s8+s2] =	stream.linear.scatter [tilespmem:s26], [sflag:$0x5], $0x4000, $0x38;
	[tilespmem:$0x1CA00] =	vst v63  }
0x8f: {  	_ =	swait.ge [sflag:s30], $0x4000  }
0x90: {  	[sflag:s30] =	ssyncset.done $0x0  }
0x91: {  	[sflag:s30] =	ssyncadd.s32 $0xFFFFC000  }
.Ltmp4:
0x92: {  	s3 =	sadd.s32 $0x6B00, s20;
	(pc) =	sbr.rel .LBB2_4-.Ltmp4, $4  }
0x93: {  	s20 =	sadd.s32 $0x6B80, s20;
	s11 =	sadd.s32 $0x1000, s11;
	s6 =	sadd.s32 $0x2000, s6  }
0x94: {  	[tilespmem:s19], [sflag:$0x2] =	stream.indirect.gather [spmem:s1], $0x40, s3, s13, $0xb8;
	[tilespmem:$0x1CA00] =	vst v63  }
0x95: {  	s7 =	sadd.s32 $0x2000, s7;
	s8 =	sadd.s32 $0x2000, s8;
	s14 =	sadd.s32 $0x2000, s14  }
0x96: {  	[tilespmem:s21], [sflag:$0x2] =	stream.indirect.gather [spmem:s1], $0x40, s20, s13, $0xb8;
	[tilespmem:$0x1CA00] =	vst v63  }
.LBB2_7:
0x97: {  	_ =	sfence.sel $0x180000  }
0x98: {  	[bflag:$0x0] =	sbarrier.arrive $0xFFFF  }
0x99: {  	_ =	strace $0x90000047  }
0x9a: {  	[bflag:$0x2] =	sbarrier.arrive $0xFFFF  }
0x9b: {  	s0 =	rddreg [dreg:$0x4]  }
0x9c: {  	s0 =	sadd.s32 @!p0 $0x100000, s0  }
0x9d: {  	[sflag:s0] =	ssyncadd.tile.s32 @!p0 $0x1;
	_ =	shalt  }
.Lfunc_end2:
_tile_overlayer_lowered:
.L_overlay_start_2:
0x9e: {  	(tag) =	ssettag $0x2  }
0x9f: {  	s0 =	rddreg [dreg:$0x0];
	s2 =	stileid.u32  }
0xa0: {  	s1 =	rddreg [dreg:$0x1];
	p0 =	sne.s32 s2, $0x0  }
0xa1: {  	s3 =	rddreg [dreg:$0x2];
	[bflag:$0x3] =	sbarrier.arrive $0xFFFF;
	s2 =	simm.s32 @!p0 $0x1C06  }
0xa2: {  	[timem:s3], [sflag:s2] =	dma.local @!p0 [hbm:s0], s1  }
0xa3: {  	s0 =	simm.s32 @!p0 $0x6  }
0xa4: {  	_ =	swait.ge @!p0 [sflag:s0], s1  }
0xa5: {  	s1 =	ssub.s32 @!p0 $0x0, s1;
	[sflag:s0] =	ssyncset.done @!p0 $0x0  }
0xa6: {  	[sflag:s0] =	ssyncadd.s32 @!p0 s1  }
0xa7: {  	[bflag:$0x3] =	sbarrier.arrive $0xFFFF  }
0xa8: {  	_ =	shalt  }

// kernel: sparse-core-data-format-call.cloned.1.call-start
scs
called_computation_lowered:
.L_overlay_start_0:
0x0: {  	s2 =	sld [smem:$0x3FD9]  }
0x1: {  	s3 =	sld [smem:$0x3FFE];
	_ =	sdelay $0x1  }
0x2: {  	s1 =	srdreg.scid  }
0x3: {  	s0 =	sand.u32 $0x1, s1  }
0x4: {  	s18 =	sshll.u32 s0, $0xA;
	s2 =	sadd.s32 s3, s2  }
0x5: {  	s2 =	sadd.s32 s2, s18  }
0x6: {  	[smem:$0x3FC6] =	sst s2  }
0x7: {  	_ = 	snop  }
0x8: {  	s2 =	sld [smem:$0x3FD0];
	(tm) =	ssettm $0x1  }
0x9: {  	s19 =	sld [smem:$0x3FFB];
	_ =	sdelay $0x3  }
0xa: {  	_ =	strace s19  }
0xb: {  	s3 =	sld [smem:$0x3FFC];
	_ =	sdelay $0x3  }
0xc: {  	_ =	strace s3  }
0xd: {  	s3 =	sld [smem:$0x3FFD];
	_ =	sdelay $0x3  }
0xe: {  	_ =	strace s3  }
0xf: {  	_ =	strace $0x8FFFFFFF  }
0x10: {  	s20 =	sld [smem:$0x3FDB];
	_ =	sdelay $0x1  }
0x11: {  	s4 =	simm.s32 $_scs_section_size  }
0x12: {  	s5 =	simm.s32 $_size__tile_overlayer_lowered;
	s6 =	simm.s32 $_tile_overlayer_lowered  }
0x13: {  	s23 =	simm.s32 $0x1BFF;
	s22 =	sshll.u32 s6, $0x1;
	s3 =	sadd.s32 s4, s20  }
0x14: {  	s7 =	simm.s32 $0x0;
	s21 =	sshll.u32 s5, $0x1;
	s5 =	sadd.s32 s22, s3  }
0x15: {  	[timem:s7], [sflag:s23] =	dma.local [hbm:s5], s21  }
0x16: {  	_ =	swait.ge [sflag:s23], s21  }
0x17: {  	s4 =	ssub.s32 $0x0, s21;
	[sflag:s23] =	ssyncset.done $0x0  }
0x18: {  	[sflag:s23] =	ssyncadd.s32 s4;
	_ =	sdelay $0x1  }
0x19: {  	s24 =	simm.s32 $0x1B8B  }
0x1a: {  	_ =	swait.ge [sflag:s24], $0x1  }
0x1b: {  	[sflag:s24] =	ssyncset.done $0x0  }
0x1c: {  	s26 =	simm.s32 $0x1B8E;
	s25 =	sld [smem:$0x3FFE];
	[sflag:s24] =	ssyncadd.s32 $0xFFFFFFFF  }
0x1d: {  	s27 =	simm.s32 $execute0_lowered;
	[smem:$0x3FD2] =	sst s26  }
0x1e: {  	s5 =	sshll.u32 s27, $0x1;
	_ =	strace $0x80000049;
	[dreg:$0x1] =	wrdreg $0xFFFFFFFF  }
0x1f: {  	s28 =	simm.s32 $_size_execute0_lowered;
	s3 =	sadd.s32 s3, s5;
	[dreg:$0x0] =	wrdreg $0x0  }
0x20: {  	s5 =	sshll.u32 s28, $0x1;
	[dreg:$0x2] =	wrdreg s3  }
0x21: {  	[dreg:$0x3] =	wrdreg s5  }
0x22: {  	[dreg:$0x4] =	wrdreg $0xC0  }
0x23: {  	_ =	task [dreg:s7], $0x5FFFF  }
0x24: {  	[dreg:$0x1] =	wrdreg $0xFFFFFFFF  }
0x25: {  	[dreg:$0x0] =	wrdreg $0x60  }
0x26: {  	[dreg:$0x2] =	wrdreg s25  }
0x27: {  	[dreg:$0x3] =	wrdreg s2  }
0x28: {  	[dreg:$0x4] =	wrdreg $0x9  }
0x29: {  	_ =	task.clear_ibuf [dreg:s7], $0x5FFFF;
	_ =	strace $0x90000049  }
0x2a: {  	s29 =	simm.s32 $0x9;
	_ =	strace $0x8000004B  }
0x2b: {  	_ =	swait.ge [sflag:s29], $0x1  }
0x2c: {  	[sflag:s29] =	ssyncadd.s32 $0xFFFFFFFF  }
0x2d: {  	_ =	strace $0x9000004B  }
0x2e: {  	_ =	sfence  }
0x2f: {  	s30 =	sld [smem:$0x0];
	_ =	sdelay $0x2  }
0x30: {  	s31 =	sshll.u32 s1, $0xD;
	s1 =	sshrl.u32 s1, $0x2  }
0x31: {  	s3 =	sand.u32 $0x4000, s31;
	s1 =	sadd.s32 s1, s30  }
0x32: {  	s0 =	sor.u32 s3, s0;
	s1 =	sshll.u32 s1, $0x11  }
0x33: {  	s0 =	sor.u32 s1, s0  }
0x34: {  	s0 =	sadd.s32 $0x8F2B, s0  }
0x35: {  	[sflag:s0] =	ssyncadd.remote.s32 $0x1  }
0x36: {  	_ =	sfence.sel $0xFFFF  }
0x37: {  	[dreg:$0x0] =	wrdreg $0xFFFFFFFF;
	(pc) =	sbr.abs _section_cstart, $3  }
0x38: {  	[dreg:$0x1] =	wrdreg $0xFFFFFFFF  }
0x39: {  	_ =	task.clear_ibuf [dreg:s7], $0x2FFFF;
	_ =	strace $0x9FFFFFFF  }
0x3a: {  	(tm) =	ssettm $0x7FFFFFFF  }
0x3b: {  	_ =	shalt  }
tec
execute0_lowered:
.L_overlay_start_1:
0x0: {  	(tag) =	ssettag $0x1  }
0x1: {  	s0 =	srdreg.scid  }
0x2: {  	s1 =	sshll.u32 s0, $0x4  }
0x3: {  	s4 =	rddreg [dreg:$0x0];
	s0 =	stileid.u32;
	s1 =	sand.u32 $0x10, s1  }
0x4: {  	s2 =	rddreg [dreg:$0x1];
	s7 =	simm.s32 $0x1;
	s1 =	sor.u32 s0, s1  }
0x5: {  	s8 =	simm.s32 $0x2;
	s11 =	simm.s32 $0x0;
	s3 =	sshll.u32 s1, $0x7  }
0x6: {  	s10 =	simm.s32 $0x0;
	s4 =	sadd.s32 $0x800, s4;
	s6 =	ssub.s32 $0xC8000, s3  }
.Ltmp0:
0x7: {  	s1 =	rddreg [dreg:$0x2];
	s5 =	sand.u32 $0xF80, s6;
	(pc) =	sbr.rel .LBB1_1-.Ltmp0, $4  }
0x8: {  	_ =	strace $0x8000004A;
	s9 =	smov.u32 s3;
	p0 =	sne.s32 s5, $0x0  }
0x9: {  	s6 =	sshrl.u32 s6, $0xC;
	s5 =	simm.s32 $0x1;
	s7 =	simm.s32 @!p0 $0x0  }
0xa: {  	[sflag:s5] =	ssyncpa.u1 $0x0;
	p0 =	por $0x0, $0x0;
	s6 =	sadd.s32 s7, s6  }
0xb: {  	[sflag:s8] =	ssyncpa.u1 $0x0;
	s8 =	simm.s32 $0x640000;
	s7 =	sadd.s32 $0x1, s6  }
.LBB1_4:
0xc: {  	s14 =	sshll.u32 s11, $0x3  }
0xd: {  	s30 =	sand.u32 $0x7F, s11;
	s15 =	sand.u32 $0xFFFFFC00, s14  }
0xe: {  	s11 =	sor.u32 s30, s15  }
0xf: {  	s15 =	smulhi.u32 $0x51EB851F, s11  }
0x10: {  	s14 =	smulhi.u32 $0x51EB851F, s14  }
0x11: {  	s15 =	sshrl.u32 s15, $0x12  }
0x12: {  	s14 =	sshrl.u32 s14, $0x12;
	s15 =	smul.u32 $0xC8000, s15  }
0x13: {  	s14 =	sand.u32 $0x3F, s14  }
0x14: {  	s14 =	smul.u32 $0x19000, s14;
	s11 =	ssub.s32 s11, s15  }
0x15: {  	[tilespmem:s13+$0x810 ss:$0x81] =	vst.msk $0xffff, v2;
	s15 =	sand.u32 $0x7, s11  }
0x16: {  	[tilespmem:s13+$0x1020 ss:$0x81] =	vst.msk $0xffff, v0;
	s14 =	sadd.s32 s2, s14;
	s11 =	sshrl.u32 s11, $0x3;
	s15 =	sshll.u32 s15, $0x12  }
0x17: {  	[tilespmem:s13+$0x0 ss:$0x81] =	vst.msk $0xffff, v1;
	s11 =	sadd.s32 s11, s14;
	s31 =	sor.u32 $0x400, s15  }
0x18: {  	[hbm4b:s11+s31] =	stream.strided.scatter [tilespmem:s12], [sflag:$0x2], $0x2000, s8, s31, $0x20;
	[tilespmem:$0x8080] =	vst v63  }
.LBB1_5:
0x19: {  	s13 =	sadd.s32 $0x1000, s9  }
0x1a: {  	p2 =	sgt.s32 s13, $0xC7FFF  }
0x1b: {  	s13 =	smov.u32 @p2 s3;
	p2 =	sne.s32 s10, s7  }
.Ltmp1:
0x1c: {  	p1 =	slt.u32 s10, $0x2;
	(pc) =	sbr.rel @!p2 .LBB1_6-.Ltmp1, $4  }
0x1d: {  	s12 =	simm.s32 @!p1 $0x2  }
0x1e: {  	s14 =	sadd.s32 $0x1, s10;
	_ =	swait.ge @!p1 [sflag:s12], $0x2000  }
0x1f: {  	s11 =	smov.u32 s9;
	p0 =	por !p0, !p0;
	[sflag:s12] =	ssyncset.done @!p1 $0x0  }
0x20: {  	s10 =	smov.u32 s14;
	s9 =	smov.u32 s13;
	[sflag:s12] =	ssyncadd.s32 @!p1 $0xFFFFE000  }
.LBB1_1:
0x21: {  	p1 =	sge.u32 s10, s6  }
0x22: {  	s12 =	sand.u32 @!p1 $0x1FFFFFF, s9  }
0x23: {  	s13 =	smulhi.u32 @!p1 $0x147AE15, s12;
	_ =	sdelay $0x1  }
0x24: {  	s13 =	sshrl.u32 @!p1 s13, $0xC  }
0x25: {  	s13 =	smul.u32 @!p1 $0xC8000, s13;
	_ =	sdelay $0x1  }
0x26: {  	s31 =	sadd.s32 $0xFFFFFFFF, s10;
	s14 =	sxor.u32 @!p1 $0xFFFFFFFF, s10;
	s12 =	ssub.s32 @!p1 s12, s13  }
0x27: {  	s15 =	simm.s32 @!p1 $0x80;
	s14 =	sshll.u32 @!p1 s14, $0xD;
	s12 =	sshll.u32 @!p1 s12, $0x4  }
0x28: {  	s13 =	sand.u32 @!p1 $0x2000, s14;
	s14 =	simm.s32 @!p1 $0x40;
	s12 =	sadd.s32 @!p1 s4, s12  }
0x29: {  	[tilespmem:s13], [sflag:$0x1] =	stream.strided.gather @!p1 [hbm4b:s12+s14], $0x2000, s15, s14, $0x38;
	[tilespmem:$0x8080] =	vst v63  }
0x2a: {  	p1 =	sge.u32 s31, s6  }
.Ltmp2:
0x2b: {  	_ = 	snop;
	(pc) =	sbr.rel @p1 .LBB1_5-.Ltmp2, $1  }
0x2c: {  	_ =	sdelay $0x3  }
0x2d: {  	s12 =	simm.s32 $0x1  }
0x2e: {  	_ =	swait.ge [sflag:s5], $0x2000;
	s12 =	simm.s32 @!p0 $0x0  }
0x2f: {  	[sflag:s5] =	ssyncset.done $0x0;
	s13 =	sshll.u32 s12, $0xD  }
0x30: {  	[sflag:s5] =	ssyncadd.s32 $0xFFFFE000;
	s16 =	sor.u32 $0x20, s13  }
0x31: {  	s12 =	smul.u32 $0x8100, s12;
	v3 =	vld [tilespmem:s16+$0x10]  }
0x32: {  	s30 =	sand.u32 $0x1, s10;
	v2 =	vld [tilespmem:s16+$0xFFFFFFF0]  }
0x33: {  	s13 =	smul.u32 $0x8100, s30;
	s12 =	sshrl.u32 s12, $0x2;
	v0 =	vld [tilespmem:s16+$0x0]  }
0x34: {  	v1 =	vld [tilespmem:s16+$0xFFFFFFE0];
	s14 =	sor.u32 $0x4000, s12  }
0x35: {  	s31 =	sshrl.u32 s13, $0x2;
	s13 =	sadd.s32 $0x0, s14  }
0x36: {  	s15 =	simm.s32 $0x4;
	s16 =	sadd.s32 $0x40, s16;
	s12 =	sor.u32 $0x4000, s31;
	[tilespmem:s13+$0x1830 ss:$0x81] =	vst.msk $0xffff, v3  }
.LBB1_3:
0x37: {  	v3 =	vld [tilespmem:s16+$0x10];
	p1 =	sne.s32 s15, $0x1FC;
	[tilespmem:s13+$0x810 ss:$0x81] =	vst.msk $0xffff, v2;
	s17 =	smov.u32 s15;
	s15 =	sadd.s32 $0x4, s15  }
.Ltmp3:
0x38: {  	v2 =	vld [tilespmem:s16+$0xFFFFFFF0];
	[tilespmem:s13+$0x1020 ss:$0x81] =	vst.msk $0xffff, v0;
	(pc) =	sbr.rel @p1 .LBB1_3-.Ltmp3, $4  }
0x39: {  	v0 =	vld [tilespmem:s16+$0x0];
	[tilespmem:s13+$0x0 ss:$0x81] =	vst.msk $0xffff, v1  }
0x3a: {  	s13 =	sshra.s32 s17, $0x2;
	v1 =	vld [tilespmem:s16+$0xFFFFFFE0]  }
0x3b: {  	s13 =	sadd.s32 s13, s14  }
0x3c: {  	s16 =	sadd.s32 $0x40, s16;
	[tilespmem:s13+$0x1830 ss:$0x81] =	vst.msk $0xffff, v3  }
.Ltmp4:
0x3d: {  	_ = 	snop;
	(pc) =	sbr.rel .LBB1_4-.Ltmp4, $1  }
0x3e: {  	_ =	sdelay $0x3  }
.LBB1_6:
0x3f: {  	_ =	sfence.sel $0x180000  }
0x40: {  	s2 =	simm.s32 $0x1;
	[bflag:$0x0] =	sbarrier.arrive $0xFFFF  }
0x41: {  	s31 =	simm.s32 $0x2;
	[sflag:s2] =	ssyncpa.u1 $0x1  }
0x42: {  	[sflag:s31] =	ssyncpa.u1 $0x1  }
0x43: {  	p0 =	sne.s32 s0, $0x0;
	_ =	strace $0x9000004A  }
0x44: {  	s0 =	sadd.s32 @!p0 $0x100000, s1;
	[bflag:$0x2] =	sbarrier.arrive $0xFFFF  }
0x45: {  	[sflag:s0] =	ssyncadd.tile.s32 @!p0 $0x1;
	_ =	shalt  }
.Lfunc_end1:
_tile_overlayer_lowered:
.L_overlay_start_2:
0x46: {  	(tag) =	ssettag $0x2  }
0x47: {  	s0 =	rddreg [dreg:$0x0];
	s2 =	stileid.u32  }
0x48: {  	s1 =	rddreg [dreg:$0x1];
	p0 =	sne.s32 s2, $0x0  }
0x49: {  	s3 =	rddreg [dreg:$0x2];
	[bflag:$0x3] =	sbarrier.arrive $0xFFFF;
	s2 =	simm.s32 @!p0 $0x1C01  }
0x4a: {  	[timem:s3], [sflag:s2] =	dma.local @!p0 [hbm:s0], s1  }
0x4b: {  	s0 =	simm.s32 @!p0 $0x1  }
0x4c: {  	_ =	swait.ge @!p0 [sflag:s0], s1  }
0x4d: {  	s1 =	ssub.s32 @!p0 $0x0, s1;
	[sflag:s0] =	ssyncset.done @!p0 $0x0  }
0x4e: {  	[sflag:s0] =	ssyncadd.s32 @!p0 s1  }
0x4f: {  	[bflag:$0x3] =	sbarrier.arrive $0xFFFF  }
0x50: {  	_ =	shalt  }

</sc_bundles>
